<compile_context>
chip_gen: v7x
topology: tpu7x:2x2x1
jax: 0.10.2.dev20260603
libtpu: 0.0.44.dev20260713+nightly
codegen_flags: <defaults>
</compile_context>

<pallas_src>
import functools

import jax
import jax.numpy as jnp
from jax import lax
from jax.experimental import pallas as pl
from jax.experimental.pallas import tpu as pltpu
from jax.experimental.pallas import tpu_sc as plsc

_NC = 2
_NS = 16
_L = 16


def kernel(lengths, table):
    n = lengths.shape[0]
    rows, d = table.shape
    nw = _NC * _NS
    n_per_w = n // nw
    groups = n_per_w // _L

    mesh = plsc.VectorSubcoreMesh(
        core_axis_name="c", subcore_axis_name="s",
        num_cores=_NC, num_subcores=_NS)

    @functools.partial(
        pl.kernel,
        out_type=jax.ShapeDtypeStruct((n * d,), jnp.float32),
        mesh=mesh,
        compiler_params=pltpu.CompilerParams(needs_layout_passes=False),
        scratch_types=[
            pltpu.VMEM((n_per_w,), jnp.int32),
            pltpu.VMEM((rows * d,), jnp.float32),
            pltpu.VMEM((n_per_w * d,), jnp.float32),
        ],
    )
    def run(lengths_hbm, table_hbm, out_hbm, len_v, tab_v, out_v):
        wid = lax.axis_index("s") * _NC + lax.axis_index("c")
        base = wid * n_per_w
        pltpu.sync_copy(lengths_hbm.at[pl.ds(base, n_per_w)], len_v)
        pltpu.sync_copy(table_hbm, tab_v)

        lane = lax.iota(jnp.int32, _L)
        rk_c, ck_c = [], []
        for k in range(d):
            p = lane + (_L * k)
            rk = (p * 13108) >> 18
            rk_c.append(rk)
            ck_c.append(p - rk * d)

        @plsc.parallel_loop(0, groups, 1, unroll=1)
        def body(g):
            lv = len_v[pl.ds(g * _L, _L)]
            f = lv.astype(jnp.float32)
            e2 = (lax.bitcast_convert_type(f, jnp.int32) >> 23) - 125
            idx = jnp.where(lv < 4, lv, e2)
            tpos = idx * d
            gbase = g * (_L * d)
            vals = []
            for k in range(d):
                fpos = tpos.at[rk_c[k]].get(mode="promise_in_bounds") + ck_c[k]
                vals.append(plsc.load_gather(tab_v, [fpos]))
            for k in range(d):
                out_v[pl.ds(gbase + k * _L, _L)] = vals[k]

        pltpu.sync_copy(out_v, out_hbm.at[pl.ds(base * d, n_per_w * d)])

    return run(lengths, table.reshape(-1)).reshape(n, d)

# --- scband reference (transcript-rebuilt; emitter-appended) ---
"""Pipeline reference for scband-distance-72911364817603 (READ-ONLY COPY).

The authoritative reference and input builder live on the scoring server;
editing this copy changes nothing except your own understanding.
"""

import jax, jax.numpy as jnp
import numpy as np

BINS = jnp.array([1, 2, 3, 4, 8, 16, 32, 64], dtype=jnp.int32)


def setup_inputs(seed: int = 0) -> dict:
    key = jax.random.key(seed)
    k1, k2 = jax.random.split(key)
    lengths = jax.random.randint(k1, (16384,), 0, 128)
    # nn.Embedding(len(bins)+1=9, distance_dim=20), default torch init ~ N(0,1)
    table = jax.random.normal(k2, (9, 20), dtype=jnp.float32)
    return {"lengths": lengths, "table": table}


def reference(lengths, table):
    # stoi: for each num, count how many bins satisfy num >= bin
    idx = jnp.sum(lengths[:, None] >= BINS[None, :], axis=1)
    # embedding lookup (Dropout(0.2) is identity in eval mode)
    return jnp.take(table, idx, axis=0)

if __name__ == "__main__":
    import jax
    _d = setup_inputs()
    print(jax.jit(kernel)(*tuple(_d.values())))

</pallas_src>

<mosaic_0001>
#map = affine_map<(d0, d1) -> (0)>
module attributes {stable_mosaic.version = 14 : i64} {
  func.func @run(%arg0: i32, %arg1: i32, %arg2: memref<16384xi32, #tpu.memory_space<hbm>>, %arg3: memref<180xf32, #tpu.memory_space<hbm>>, %arg4: memref<327680xf32, #tpu.memory_space<hbm>>, %arg5: memref<512xi32, #tpu.memory_space<vmem>>, %arg6: memref<180xf32, #tpu.memory_space<vmem>>, %arg7: memref<10240xf32, #tpu.memory_space<vmem>>) attributes {dimension_semantics = [#tpu.dimension_semantics<core_parallel>, #tpu.dimension_semantics<subcore_parallel>], iteration_bounds = array<i64: 2, 16>, scalar_prefetch = 0 : i64, scratch_operands = 3 : i64, tpu.core_type = #tpu.core_type<sc_vector_subcore>, window_params = [{transform_indices = #map}, {transform_indices = #map}, {transform_indices = #map}]} {
    %mul3A = arith.constant 2 : i32
    %mul3A_0 = arith.muli %arg1, %mul3A : i32
    %add3A = arith.addi %mul3A_0, %arg0 : i32
    %mul3A_1 = arith.constant 512 : i32
    %mul3A_2 = arith.muli %add3A, %mul3A_1 : i32
    "tpu.region"() ({
      %run_scoped3A = tpu.sem_alloc : memref<!tpu.dma_semaphore, #tpu.memory_space<semaphore_mem>>
      %dma_start3A = tpu.memref_slice %arg2[%mul3A_2] : memref<16384xi32, #tpu.memory_space<hbm>> -> memref<512xi32, #tpu.memory_space<hbm>>
      %dma_start3A_265 = tpu.memref_slice %arg2[%mul3A_2] : memref<16384xi32, #tpu.memory_space<hbm>> -> memref<512xi32, #tpu.memory_space<hbm>>
      tpu.enqueue_dma source(%dma_start3A_265 : memref<512xi32, #tpu.memory_space<hbm>>) target(%arg5 : memref<512xi32, #tpu.memory_space<vmem>>) target_semaphore(%run_scoped3A : memref<!tpu.dma_semaphore, #tpu.memory_space<semaphore_mem>>)
      %dma_wait3A = tpu.memref_slice %arg2[%mul3A_2] : memref<16384xi32, #tpu.memory_space<hbm>> -> memref<512xi32, #tpu.memory_space<hbm>>
      %dma_wait3A_266 = tpu.memref_slice %arg2[%mul3A_2] : memref<16384xi32, #tpu.memory_space<hbm>> -> memref<512xi32, #tpu.memory_space<hbm>>
      tpu.wait_dma2 semaphore(%run_scoped3A : memref<!tpu.dma_semaphore, #tpu.memory_space<semaphore_mem>>) src(%dma_wait3A_266 : memref<512xi32, #tpu.memory_space<hbm>>) dst(%arg5 : memref<512xi32, #tpu.memory_space<vmem>>)
      tpu.yield
    }) : () -> ()
    "tpu.region"() ({
      %run_scoped3A = tpu.sem_alloc : memref<!tpu.dma_semaphore, #tpu.memory_space<semaphore_mem>>
      tpu.enqueue_dma source(%arg3 : memref<180xf32, #tpu.memory_space<hbm>>) target(%arg6 : memref<180xf32, #tpu.memory_space<vmem>>) target_semaphore(%run_scoped3A : memref<!tpu.dma_semaphore, #tpu.memory_space<semaphore_mem>>)
      tpu.wait_dma2 semaphore(%run_scoped3A : memref<!tpu.dma_semaphore, #tpu.memory_space<semaphore_mem>>) src(%arg3 : memref<180xf32, #tpu.memory_space<hbm>>) dst(%arg6 : memref<180xf32, #tpu.memory_space<vmem>>)
      tpu.yield
    }) : () -> ()
    %iota3A = tpu.iota {dimensions = array<i32: 0>} : vector<16xi32>
    %add3A_3 = arith.constant 0 : i32
    %add3A_4 = vector.broadcast %add3A_3 : i32 to vector<16xi32>
    %add3A_5 = arith.addi %iota3A, %add3A_4 : vector<16xi32>
    %mul3A_6 = arith.constant 13108 : i32
    %mul3A_7 = vector.broadcast %mul3A_6 : i32 to vector<16xi32>
    %mul3A_8 = arith.muli %add3A_5, %mul3A_7 : vector<16xi32>
    %shift_right_arithmetic3A = arith.constant 18 : i32
    %shift_right_arithmetic3A_9 = vector.broadcast %shift_right_arithmetic3A : i32 to vector<16xi32>
    %shift_right_arithmetic3A_10 = arith.shrsi %mul3A_8, %shift_right_arithmetic3A_9 : vector<16xi32>
    %mul3A_11 = arith.constant 20 : i32
    %mul3A_12 = vector.broadcast %mul3A_11 : i32 to vector<16xi32>
    %mul3A_13 = arith.muli %shift_right_arithmetic3A_10, %mul3A_12 : vector<16xi32>
    %sub3A = arith.subi %add3A_5, %mul3A_13 : vector<16xi32>
    %add3A_14 = arith.constant 16 : i32
    %add3A_15 = vector.broadcast %add3A_14 : i32 to vector<16xi32>
    %add3A_16 = arith.addi %iota3A, %add3A_15 : vector<16xi32>
    %mul3A_17 = arith.constant 13108 : i32
    %mul3A_18 = vector.broadcast %mul3A_17 : i32 to vector<16xi32>
    %mul3A_19 = arith.muli %add3A_16, %mul3A_18 : vector<16xi32>
    %shift_right_arithmetic3A_20 = arith.constant 18 : i32
    %shift_right_arithmetic3A_21 = vector.broadcast %shift_right_arithmetic3A_20 : i32 to vector<16xi32>
    %shift_right_arithmetic3A_22 = arith.shrsi %mul3A_19, %shift_right_arithmetic3A_21 : vector<16xi32>
    %mul3A_23 = arith.constant 20 : i32
    %mul3A_24 = vector.broadcast %mul3A_23 : i32 to vector<16xi32>
    %mul3A_25 = arith.muli %shift_right_arithmetic3A_22, %mul3A_24 : vector<16xi32>
    %sub3A_26 = arith.subi %add3A_16, %mul3A_25 : vector<16xi32>
    %add3A_27 = arith.constant 32 : i32
    %add3A_28 = vector.broadcast %add3A_27 : i32 to vector<16xi32>
    %add3A_29 = arith.addi %iota3A, %add3A_28 : vector<16xi32>
    %mul3A_30 = arith.constant 13108 : i32
    %mul3A_31 = vector.broadcast %mul3A_30 : i32 to vector<16xi32>
    %mul3A_32 = arith.muli %add3A_29, %mul3A_31 : vector<16xi32>
    %shift_right_arithmetic3A_33 = arith.constant 18 : i32
    %shift_right_arithmetic3A_34 = vector.broadcast %shift_right_arithmetic3A_33 : i32 to vector<16xi32>
    %shift_right_arithmetic3A_35 = arith.shrsi %mul3A_32, %shift_right_arithmetic3A_34 : vector<16xi32>
    %mul3A_36 = arith.constant 20 : i32
    %mul3A_37 = vector.broadcast %mul3A_36 : i32 to vector<16xi32>
    %mul3A_38 = arith.muli %shift_right_arithmetic3A_35, %mul3A_37 : vector<16xi32>
    %sub3A_39 = arith.subi %add3A_29, %mul3A_38 : vector<16xi32>
    %add3A_40 = arith.constant 48 : i32
    %add3A_41 = vector.broadcast %add3A_40 : i32 to vector<16xi32>
    %add3A_42 = arith.addi %iota3A, %add3A_41 : vector<16xi32>
    %mul3A_43 = arith.constant 13108 : i32
    %mul3A_44 = vector.broadcast %mul3A_43 : i32 to vector<16xi32>
    %mul3A_45 = arith.muli %add3A_42, %mul3A_44 : vector<16xi32>
    %shift_right_arithmetic3A_46 = arith.constant 18 : i32
    %shift_right_arithmetic3A_47 = vector.broadcast %shift_right_arithmetic3A_46 : i32 to vector<16xi32>
    %shift_right_arithmetic3A_48 = arith.shrsi %mul3A_45, %shift_right_arithmetic3A_47 : vector<16xi32>
    %mul3A_49 = arith.constant 20 : i32
    %mul3A_50 = vector.broadcast %mul3A_49 : i32 to vector<16xi32>
    %mul3A_51 = arith.muli %shift_right_arithmetic3A_48, %mul3A_50 : vector<16xi32>
    %sub3A_52 = arith.subi %add3A_42, %mul3A_51 : vector<16xi32>
    %add3A_53 = arith.constant 64 : i32
    %add3A_54 = vector.broadcast %add3A_53 : i32 to vector<16xi32>
    %add3A_55 = arith.addi %iota3A, %add3A_54 : vector<16xi32>
    %mul3A_56 = arith.constant 13108 : i32
    %mul3A_57 = vector.broadcast %mul3A_56 : i32 to vector<16xi32>
    %mul3A_58 = arith.muli %add3A_55, %mul3A_57 : vector<16xi32>
    %shift_right_arithmetic3A_59 = arith.constant 18 : i32
    %shift_right_arithmetic3A_60 = vector.broadcast %shift_right_arithmetic3A_59 : i32 to vector<16xi32>
    %shift_right_arithmetic3A_61 = arith.shrsi %mul3A_58, %shift_right_arithmetic3A_60 : vector<16xi32>
    %mul3A_62 = arith.constant 20 : i32
    %mul3A_63 = vector.broadcast %mul3A_62 : i32 to vector<16xi32>
    %mul3A_64 = arith.muli %shift_right_arithmetic3A_61, %mul3A_63 : vector<16xi32>
    %sub3A_65 = arith.subi %add3A_55, %mul3A_64 : vector<16xi32>
    %add3A_66 = arith.constant 80 : i32
    %add3A_67 = vector.broadcast %add3A_66 : i32 to vector<16xi32>
    %add3A_68 = arith.addi %iota3A, %add3A_67 : vector<16xi32>
    %mul3A_69 = arith.constant 13108 : i32
    %mul3A_70 = vector.broadcast %mul3A_69 : i32 to vector<16xi32>
    %mul3A_71 = arith.muli %add3A_68, %mul3A_70 : vector<16xi32>
    %shift_right_arithmetic3A_72 = arith.constant 18 : i32
    %shift_right_arithmetic3A_73 = vector.broadcast %shift_right_arithmetic3A_72 : i32 to vector<16xi32>
    %shift_right_arithmetic3A_74 = arith.shrsi %mul3A_71, %shift_right_arithmetic3A_73 : vector<16xi32>
    %mul3A_75 = arith.constant 20 : i32
    %mul3A_76 = vector.broadcast %mul3A_75 : i32 to vector<16xi32>
    %mul3A_77 = arith.muli %shift_right_arithmetic3A_74, %mul3A_76 : vector<16xi32>
    %sub3A_78 = arith.subi %add3A_68, %mul3A_77 : vector<16xi32>
    %add3A_79 = arith.constant 96 : i32
    %add3A_80 = vector.broadcast %add3A_79 : i32 to vector<16xi32>
    %add3A_81 = arith.addi %iota3A, %add3A_80 : vector<16xi32>
    %mul3A_82 = arith.constant 13108 : i32
    %mul3A_83 = vector.broadcast %mul3A_82 : i32 to vector<16xi32>
    %mul3A_84 = arith.muli %add3A_81, %mul3A_83 : vector<16xi32>
    %shift_right_arithmetic3A_85 = arith.constant 18 : i32
    %shift_right_arithmetic3A_86 = vector.broadcast %shift_right_arithmetic3A_85 : i32 to vector<16xi32>
    %shift_right_arithmetic3A_87 = arith.shrsi %mul3A_84, %shift_right_arithmetic3A_86 : vector<16xi32>
    %mul3A_88 = arith.constant 20 : i32
    %mul3A_89 = vector.broadcast %mul3A_88 : i32 to vector<16xi32>
    %mul3A_90 = arith.muli %shift_right_arithmetic3A_87, %mul3A_89 : vector<16xi32>
    %sub3A_91 = arith.subi %add3A_81, %mul3A_90 : vector<16xi32>
    %add3A_92 = arith.constant 112 : i32
    %add3A_93 = vector.broadcast %add3A_92 : i32 to vector<16xi32>
    %add3A_94 = arith.addi %iota3A, %add3A_93 : vector<16xi32>
    %mul3A_95 = arith.constant 13108 : i32
    %mul3A_96 = vector.broadcast %mul3A_95 : i32 to vector<16xi32>
    %mul3A_97 = arith.muli %add3A_94, %mul3A_96 : vector<16xi32>
    %shift_right_arithmetic3A_98 = arith.constant 18 : i32
    %shift_right_arithmetic3A_99 = vector.broadcast %shift_right_arithmetic3A_98 : i32 to vector<16xi32>
    %shift_right_arithmetic3A_100 = arith.shrsi %mul3A_97, %shift_right_arithmetic3A_99 : vector<16xi32>
    %mul3A_101 = arith.constant 20 : i32
    %mul3A_102 = vector.broadcast %mul3A_101 : i32 to vector<16xi32>
    %mul3A_103 = arith.muli %shift_right_arithmetic3A_100, %mul3A_102 : vector<16xi32>
    %sub3A_104 = arith.subi %add3A_94, %mul3A_103 : vector<16xi32>
    %add3A_105 = arith.constant 128 : i32
    %add3A_106 = vector.broadcast %add3A_105 : i32 to vector<16xi32>
    %add3A_107 = arith.addi %iota3A, %add3A_106 : vector<16xi32>
    %mul3A_108 = arith.constant 13108 : i32
    %mul3A_109 = vector.broadcast %mul3A_108 : i32 to vector<16xi32>
    %mul3A_110 = arith.muli %add3A_107, %mul3A_109 : vector<16xi32>
    %shift_right_arithmetic3A_111 = arith.constant 18 : i32
    %shift_right_arithmetic3A_112 = vector.broadcast %shift_right_arithmetic3A_111 : i32 to vector<16xi32>
    %shift_right_arithmetic3A_113 = arith.shrsi %mul3A_110, %shift_right_arithmetic3A_112 : vector<16xi32>
    %mul3A_114 = arith.constant 20 : i32
    %mul3A_115 = vector.broadcast %mul3A_114 : i32 to vector<16xi32>
    %mul3A_116 = arith.muli %shift_right_arithmetic3A_113, %mul3A_115 : vector<16xi32>
    %sub3A_117 = arith.subi %add3A_107, %mul3A_116 : vector<16xi32>
    %add3A_118 = arith.constant 144 : i32
    %add3A_119 = vector.broadcast %add3A_118 : i32 to vector<16xi32>
    %add3A_120 = arith.addi %iota3A, %add3A_119 : vector<16xi32>
    %mul3A_121 = arith.constant 13108 : i32
    %mul3A_122 = vector.broadcast %mul3A_121 : i32 to vector<16xi32>
    %mul3A_123 = arith.muli %add3A_120, %mul3A_122 : vector<16xi32>
    %shift_right_arithmetic3A_124 = arith.constant 18 : i32
    %shift_right_arithmetic3A_125 = vector.broadcast %shift_right_arithmetic3A_124 : i32 to vector<16xi32>
    %shift_right_arithmetic3A_126 = arith.shrsi %mul3A_123, %shift_right_arithmetic3A_125 : vector<16xi32>
    %mul3A_127 = arith.constant 20 : i32
    %mul3A_128 = vector.broadcast %mul3A_127 : i32 to vector<16xi32>
    %mul3A_129 = arith.muli %shift_right_arithmetic3A_126, %mul3A_128 : vector<16xi32>
    %sub3A_130 = arith.subi %add3A_120, %mul3A_129 : vector<16xi32>
    %add3A_131 = arith.constant 160 : i32
    %add3A_132 = vector.broadcast %add3A_131 : i32 to vector<16xi32>
    %add3A_133 = arith.addi %iota3A, %add3A_132 : vector<16xi32>
    %mul3A_134 = arith.constant 13108 : i32
    %mul3A_135 = vector.broadcast %mul3A_134 : i32 to vector<16xi32>
    %mul3A_136 = arith.muli %add3A_133, %mul3A_135 : vector<16xi32>
    %shift_right_arithmetic3A_137 = arith.constant 18 : i32
    %shift_right_arithmetic3A_138 = vector.broadcast %shift_right_arithmetic3A_137 : i32 to vector<16xi32>
    %shift_right_arithmetic3A_139 = arith.shrsi %mul3A_136, %shift_right_arithmetic3A_138 : vector<16xi32>
    %mul3A_140 = arith.constant 20 : i32
    %mul3A_141 = vector.broadcast %mul3A_140 : i32 to vector<16xi32>
    %mul3A_142 = arith.muli %shift_right_arithmetic3A_139, %mul3A_141 : vector<16xi32>
    %sub3A_143 = arith.subi %add3A_133, %mul3A_142 : vector<16xi32>
    %add3A_144 = arith.constant 176 : i32
    %add3A_145 = vector.broadcast %add3A_144 : i32 to vector<16xi32>
    %add3A_146 = arith.addi %iota3A, %add3A_145 : vector<16xi32>
    %mul3A_147 = arith.constant 13108 : i32
    %mul3A_148 = vector.broadcast %mul3A_147 : i32 to vector<16xi32>
    %mul3A_149 = arith.muli %add3A_146, %mul3A_148 : vector<16xi32>
    %shift_right_arithmetic3A_150 = arith.constant 18 : i32
    %shift_right_arithmetic3A_151 = vector.broadcast %shift_right_arithmetic3A_150 : i32 to vector<16xi32>
    %shift_right_arithmetic3A_152 = arith.shrsi %mul3A_149, %shift_right_arithmetic3A_151 : vector<16xi32>
    %mul3A_153 = arith.constant 20 : i32
    %mul3A_154 = vector.broadcast %mul3A_153 : i32 to vector<16xi32>
    %mul3A_155 = arith.muli %shift_right_arithmetic3A_152, %mul3A_154 : vector<16xi32>
    %sub3A_156 = arith.subi %add3A_146, %mul3A_155 : vector<16xi32>
    %add3A_157 = arith.constant 192 : i32
    %add3A_158 = vector.broadcast %add3A_157 : i32 to vector<16xi32>
    %add3A_159 = arith.addi %iota3A, %add3A_158 : vector<16xi32>
    %mul3A_160 = arith.constant 13108 : i32
    %mul3A_161 = vector.broadcast %mul3A_160 : i32 to vector<16xi32>
    %mul3A_162 = arith.muli %add3A_159, %mul3A_161 : vector<16xi32>
    %shift_right_arithmetic3A_163 = arith.constant 18 : i32
    %shift_right_arithmetic3A_164 = vector.broadcast %shift_right_arithmetic3A_163 : i32 to vector<16xi32>
    %shift_right_arithmetic3A_165 = arith.shrsi %mul3A_162, %shift_right_arithmetic3A_164 : vector<16xi32>
    %mul3A_166 = arith.constant 20 : i32
    %mul3A_167 = vector.broadcast %mul3A_166 : i32 to vector<16xi32>
    %mul3A_168 = arith.muli %shift_right_arithmetic3A_165, %mul3A_167 : vector<16xi32>
    %sub3A_169 = arith.subi %add3A_159, %mul3A_168 : vector<16xi32>
    %add3A_170 = arith.constant 208 : i32
    %add3A_171 = vector.broadcast %add3A_170 : i32 to vector<16xi32>
    %add3A_172 = arith.addi %iota3A, %add3A_171 : vector<16xi32>
    %mul3A_173 = arith.constant 13108 : i32
    %mul3A_174 = vector.broadcast %mul3A_173 : i32 to vector<16xi32>
    %mul3A_175 = arith.muli %add3A_172, %mul3A_174 : vector<16xi32>
    %shift_right_arithmetic3A_176 = arith.constant 18 : i32
    %shift_right_arithmetic3A_177 = vector.broadcast %shift_right_arithmetic3A_176 : i32 to vector<16xi32>
    %shift_right_arithmetic3A_178 = arith.shrsi %mul3A_175, %shift_right_arithmetic3A_177 : vector<16xi32>
    %mul3A_179 = arith.constant 20 : i32
    %mul3A_180 = vector.broadcast %mul3A_179 : i32 to vector<16xi32>
    %mul3A_181 = arith.muli %shift_right_arithmetic3A_178, %mul3A_180 : vector<16xi32>
    %sub3A_182 = arith.subi %add3A_172, %mul3A_181 : vector<16xi32>
    %add3A_183 = arith.constant 224 : i32
    %add3A_184 = vector.broadcast %add3A_183 : i32 to vector<16xi32>
    %add3A_185 = arith.addi %iota3A, %add3A_184 : vector<16xi32>
    %mul3A_186 = arith.constant 13108 : i32
    %mul3A_187 = vector.broadcast %mul3A_186 : i32 to vector<16xi32>
    %mul3A_188 = arith.muli %add3A_185, %mul3A_187 : vector<16xi32>
    %shift_right_arithmetic3A_189 = arith.constant 18 : i32
    %shift_right_arithmetic3A_190 = vector.broadcast %shift_right_arithmetic3A_189 : i32 to vector<16xi32>
    %shift_right_arithmetic3A_191 = arith.shrsi %mul3A_188, %shift_right_arithmetic3A_190 : vector<16xi32>
    %mul3A_192 = arith.constant 20 : i32
    %mul3A_193 = vector.broadcast %mul3A_192 : i32 to vector<16xi32>
    %mul3A_194 = arith.muli %shift_right_arithmetic3A_191, %mul3A_193 : vector<16xi32>
    %sub3A_195 = arith.subi %add3A_185, %mul3A_194 : vector<16xi32>
    %add3A_196 = arith.constant 240 : i32
    %add3A_197 = vector.broadcast %add3A_196 : i32 to vector<16xi32>
    %add3A_198 = arith.addi %iota3A, %add3A_197 : vector<16xi32>
    %mul3A_199 = arith.constant 13108 : i32
    %mul3A_200 = vector.broadcast %mul3A_199 : i32 to vector<16xi32>
    %mul3A_201 = arith.muli %add3A_198, %mul3A_200 : vector<16xi32>
    %shift_right_arithmetic3A_202 = arith.constant 18 : i32
    %shift_right_arithmetic3A_203 = vector.broadcast %shift_right_arithmetic3A_202 : i32 to vector<16xi32>
    %shift_right_arithmetic3A_204 = arith.shrsi %mul3A_201, %shift_right_arithmetic3A_203 : vector<16xi32>
    %mul3A_205 = arith.constant 20 : i32
    %mul3A_206 = vector.broadcast %mul3A_205 : i32 to vector<16xi32>
    %mul3A_207 = arith.muli %shift_right_arithmetic3A_204, %mul3A_206 : vector<16xi32>
    %sub3A_208 = arith.subi %add3A_198, %mul3A_207 : vector<16xi32>
    %add3A_209 = arith.constant 256 : i32
    %add3A_210 = vector.broadcast %add3A_209 : i32 to vector<16xi32>
    %add3A_211 = arith.addi %iota3A, %add3A_210 : vector<16xi32>
    %mul3A_212 = arith.constant 13108 : i32
    %mul3A_213 = vector.broadcast %mul3A_212 : i32 to vector<16xi32>
    %mul3A_214 = arith.muli %add3A_211, %mul3A_213 : vector<16xi32>
    %shift_right_arithmetic3A_215 = arith.constant 18 : i32
    %shift_right_arithmetic3A_216 = vector.broadcast %shift_right_arithmetic3A_215 : i32 to vector<16xi32>
    %shift_right_arithmetic3A_217 = arith.shrsi %mul3A_214, %shift_right_arithmetic3A_216 : vector<16xi32>
    %mul3A_218 = arith.constant 20 : i32
    %mul3A_219 = vector.broadcast %mul3A_218 : i32 to vector<16xi32>
    %mul3A_220 = arith.muli %shift_right_arithmetic3A_217, %mul3A_219 : vector<16xi32>
    %sub3A_221 = arith.subi %add3A_211, %mul3A_220 : vector<16xi32>
    %add3A_222 = arith.constant 272 : i32
    %add3A_223 = vector.broadcast %add3A_222 : i32 to vector<16xi32>
    %add3A_224 = arith.addi %iota3A, %add3A_223 : vector<16xi32>
    %mul3A_225 = arith.constant 13108 : i32
    %mul3A_226 = vector.broadcast %mul3A_225 : i32 to vector<16xi32>
    %mul3A_227 = arith.muli %add3A_224, %mul3A_226 : vector<16xi32>
    %shift_right_arithmetic3A_228 = arith.constant 18 : i32
    %shift_right_arithmetic3A_229 = vector.broadcast %shift_right_arithmetic3A_228 : i32 to vector<16xi32>
    %shift_right_arithmetic3A_230 = arith.shrsi %mul3A_227, %shift_right_arithmetic3A_229 : vector<16xi32>
    %mul3A_231 = arith.constant 20 : i32
    %mul3A_232 = vector.broadcast %mul3A_231 : i32 to vector<16xi32>
    %mul3A_233 = arith.muli %shift_right_arithmetic3A_230, %mul3A_232 : vector<16xi32>
    %sub3A_234 = arith.subi %add3A_224, %mul3A_233 : vector<16xi32>
    %add3A_235 = arith.constant 288 : i32
    %add3A_236 = vector.broadcast %add3A_235 : i32 to vector<16xi32>
    %add3A_237 = arith.addi %iota3A, %add3A_236 : vector<16xi32>
    %mul3A_238 = arith.constant 13108 : i32
    %mul3A_239 = vector.broadcast %mul3A_238 : i32 to vector<16xi32>
    %mul3A_240 = arith.muli %add3A_237, %mul3A_239 : vector<16xi32>
    %shift_right_arithmetic3A_241 = arith.constant 18 : i32
    %shift_right_arithmetic3A_242 = vector.broadcast %shift_right_arithmetic3A_241 : i32 to vector<16xi32>
    %shift_right_arithmetic3A_243 = arith.shrsi %mul3A_240, %shift_right_arithmetic3A_242 : vector<16xi32>
    %mul3A_244 = arith.constant 20 : i32
    %mul3A_245 = vector.broadcast %mul3A_244 : i32 to vector<16xi32>
    %mul3A_246 = arith.muli %shift_right_arithmetic3A_243, %mul3A_245 : vector<16xi32>
    %sub3A_247 = arith.subi %add3A_237, %mul3A_246 : vector<16xi32>
    %add3A_248 = arith.constant 304 : i32
    %add3A_249 = vector.broadcast %add3A_248 : i32 to vector<16xi32>
    %add3A_250 = arith.addi %iota3A, %add3A_249 : vector<16xi32>
    %mul3A_251 = arith.constant 13108 : i32
    %mul3A_252 = vector.broadcast %mul3A_251 : i32 to vector<16xi32>
    %mul3A_253 = arith.muli %add3A_250, %mul3A_252 : vector<16xi32>
    %shift_right_arithmetic3A_254 = arith.constant 18 : i32
    %shift_right_arithmetic3A_255 = vector.broadcast %shift_right_arithmetic3A_254 : i32 to vector<16xi32>
    %shift_right_arithmetic3A_256 = arith.shrsi %mul3A_253, %shift_right_arithmetic3A_255 : vector<16xi32>
    %mul3A_257 = arith.constant 20 : i32
    %mul3A_258 = vector.broadcast %mul3A_257 : i32 to vector<16xi32>
    %mul3A_259 = arith.muli %shift_right_arithmetic3A_256, %mul3A_258 : vector<16xi32>
    %sub3A_260 = arith.subi %add3A_250, %mul3A_259 : vector<16xi32>
    %parallel_loop3A = arith.constant 0 : i32
    %parallel_loop3A_261 = arith.constant 32 : i32
    %parallel_loop3A_262 = arith.constant 1 : i32
    scf.for %parallel_loop3A_265 = %parallel_loop3A to %parallel_loop3A_261 step %parallel_loop3A_262  : i32 {
      %parallel_loop3A_266 = arith.constant 16 : i32
      %parallel_loop3A_267 = arith.muli %parallel_loop3A_265, %parallel_loop3A_266 : i32
      %parallel_loop3A_268 = arith.index_cast %parallel_loop3A_267 : i32 to index
      %parallel_loop3A_269 = tpu.vector_load %arg5[%parallel_loop3A_268] {strides = array<i32>} : memref<512xi32, #tpu.memory_space<vmem>>, vector<16xi32>,
      %parallel_loop3A_270 = arith.sitofp %parallel_loop3A_269 : vector<16xi32> to vector<16xf32>
      %parallel_loop3A_271 = tpu.bitcast %parallel_loop3A_270 : vector<16xf32> -> vector<16xi32>
      %parallel_loop3A_272 = arith.constant 23 : i32
      %parallel_loop3A_273 = vector.broadcast %parallel_loop3A_272 : i32 to vector<16xi32>
      %parallel_loop3A_274 = arith.shrsi %parallel_loop3A_271, %parallel_loop3A_273 : vector<16xi32>
      %parallel_loop3A_275 = arith.constant 125 : i32
      %parallel_loop3A_276 = vector.broadcast %parallel_loop3A_275 : i32 to vector<16xi32>
      %parallel_loop3A_277 = arith.subi %parallel_loop3A_274, %parallel_loop3A_276 : vector<16xi32>
      %parallel_loop3A_278 = arith.constant 4 : i32
      %parallel_loop3A_279 = vector.broadcast %parallel_loop3A_278 : i32 to vector<16xi32>
      %parallel_loop3A_280 = arith.cmpi slt, %parallel_loop3A_269, %parallel_loop3A_279 : vector<16xi32>
      %parallel_loop3A_281 = arith.select %parallel_loop3A_280, %parallel_loop3A_269, %parallel_loop3A_277 : vector<16xi1>, vector<16xi32>
      %parallel_loop3A_282 = arith.constant 20 : i32
      %parallel_loop3A_283 = vector.broadcast %parallel_loop3A_282 : i32 to vector<16xi32>
      %parallel_loop3A_284 = arith.muli %parallel_loop3A_281, %parallel_loop3A_283 : vector<16xi32>
      %parallel_loop3A_285 = arith.constant 320 : i32
      %parallel_loop3A_286 = arith.muli %parallel_loop3A_265, %parallel_loop3A_285 : i32
      %parallel_loop3A_287 = arith.constant 0 : i32
      %parallel_loop3A_288 = vector.broadcast %parallel_loop3A_287 : i32 to vector<16xi32>
      %parallel_loop3A_289 = arith.cmpi slt, %shift_right_arithmetic3A_10, %parallel_loop3A_288 : vector<16xi32>
      %parallel_loop3A_290 = arith.constant 16 : i32
      %parallel_loop3A_291 = vector.broadcast %parallel_loop3A_290 : i32 to vector<16xi32>
      %parallel_loop3A_292 = arith.addi %shift_right_arithmetic3A_10, %parallel_loop3A_291 : vector<16xi32>
      %parallel_loop3A_293 = arith.select %parallel_loop3A_289, %parallel_loop3A_292, %shift_right_arithmetic3A_10 : vector<16xi1>, vector<16xi32>
      %parallel_loop3A_294 = vector.shape_cast %parallel_loop3A_293 : vector<16xi32> to vector<16x1xi32>
      %parallel_loop3A_295 = vector.shape_cast %parallel_loop3A_294 : vector<16x1xi32> to vector<16xi32>
      %parallel_loop3A_296 = tpu.dynamic_gather %parallel_loop3A_284[%parallel_loop3A_295] in [0] : vector<16xi32>, vector<16xi32> -> vector<16xi32>
      %parallel_loop3A_297 = arith.addi %parallel_loop3A_296, %sub3A : vector<16xi32>
      %parallel_loop3A_298 = tpu.vector_load_idx %arg6[%parallel_loop3A_297] : memref<180xf32, #tpu.memory_space<vmem>>[vector<16xi32>], vector<16xf32>,
      %parallel_loop3A_299 = arith.constant 0 : i32
      %parallel_loop3A_300 = vector.broadcast %parallel_loop3A_299 : i32 to vector<16xi32>
      %parallel_loop3A_301 = arith.cmpi slt, %shift_right_arithmetic3A_22, %parallel_loop3A_300 : vector<16xi32>
      %parallel_loop3A_302 = arith.constant 16 : i32
      %parallel_loop3A_303 = vector.broadcast %parallel_loop3A_302 : i32 to vector<16xi32>
      %parallel_loop3A_304 = arith.addi %shift_right_arithmetic3A_22, %parallel_loop3A_303 : vector<16xi32>
      %parallel_loop3A_305 = arith.select %parallel_loop3A_301, %parallel_loop3A_304, %shift_right_arithmetic3A_22 : vector<16xi1>, vector<16xi32>
      %parallel_loop3A_306 = vector.shape_cast %parallel_loop3A_305 : vector<16xi32> to vector<16x1xi32>
      %parallel_loop3A_307 = vector.shape_cast %parallel_loop3A_306 : vector<16x1xi32> to vector<16xi32>
      %parallel_loop3A_308 = tpu.dynamic_gather %parallel_loop3A_284[%parallel_loop3A_307] in [0] : vector<16xi32>, vector<16xi32> -> vector<16xi32>
      %parallel_loop3A_309 = arith.addi %parallel_loop3A_308, %sub3A_26 : vector<16xi32>
      %parallel_loop3A_310 = tpu.vector_load_idx %arg6[%parallel_loop3A_309] : memref<180xf32, #tpu.memory_space<vmem>>[vector<16xi32>], vector<16xf32>,
      %parallel_loop3A_311 = arith.constant 0 : i32
      %parallel_loop3A_312 = vector.broadcast %parallel_loop3A_311 : i32 to vector<16xi32>
      %parallel_loop3A_313 = arith.cmpi slt, %shift_right_arithmetic3A_35, %parallel_loop3A_312 : vector<16xi32>
      %parallel_loop3A_314 = arith.constant 16 : i32
      %parallel_loop3A_315 = vector.broadcast %parallel_loop3A_314 : i32 to vector<16xi32>
      %parallel_loop3A_316 = arith.addi %shift_right_arithmetic3A_35, %parallel_loop3A_315 : vector<16xi32>
      %parallel_loop3A_317 = arith.select %parallel_loop3A_313, %parallel_loop3A_316, %shift_right_arithmetic3A_35 : vector<16xi1>, vector<16xi32>
      %parallel_loop3A_318 = vector.shape_cast %parallel_loop3A_317 : vector<16xi32> to vector<16x1xi32>
      %parallel_loop3A_319 = vector.shape_cast %parallel_loop3A_318 : vector<16x1xi32> to vector<16xi32>
      %parallel_loop3A_320 = tpu.dynamic_gather %parallel_loop3A_284[%parallel_loop3A_319] in [0] : vector<16xi32>, vector<16xi32> -> vector<16xi32>
      %parallel_loop3A_321 = arith.addi %parallel_loop3A_320, %sub3A_39 : vector<16xi32>
      %parallel_loop3A_322 = tpu.vector_load_idx %arg6[%parallel_loop3A_321] : memref<180xf32, #tpu.memory_space<vmem>>[vector<16xi32>], vector<16xf32>,
      %parallel_loop3A_323 = arith.constant 0 : i32
      %parallel_loop3A_324 = vector.broadcast %parallel_loop3A_323 : i32 to vector<16xi32>
      %parallel_loop3A_325 = arith.cmpi slt, %shift_right_arithmetic3A_48, %parallel_loop3A_324 : vector<16xi32>
      %parallel_loop3A_326 = arith.constant 16 : i32
      %parallel_loop3A_327 = vector.broadcast %parallel_loop3A_326 : i32 to vector<16xi32>
      %parallel_loop3A_328 = arith.addi %shift_right_arithmetic3A_48, %parallel_loop3A_327 : vector<16xi32>
      %parallel_loop3A_329 = arith.select %parallel_loop3A_325, %parallel_loop3A_328, %shift_right_arithmetic3A_48 : vector<16xi1>, vector<16xi32>
      %parallel_loop3A_330 = vector.shape_cast %parallel_loop3A_329 : vector<16xi32> to vector<16x1xi32>
      %parallel_loop3A_331 = vector.shape_cast %parallel_loop3A_330 : vector<16x1xi32> to vector<16xi32>
      %parallel_loop3A_332 = tpu.dynamic_gather %parallel_loop3A_284[%parallel_loop3A_331] in [0] : vector<16xi32>, vector<16xi32> -> vector<16xi32>
      %parallel_loop3A_333 = arith.addi %parallel_loop3A_332, %sub3A_52 : vector<16xi32>
      %parallel_loop3A_334 = tpu.vector_load_idx %arg6[%parallel_loop3A_333] : memref<180xf32, #tpu.memory_space<vmem>>[vector<16xi32>], vector<16xf32>,
      %parallel_loop3A_335 = arith.constant 0 : i32
      %parallel_loop3A_336 = vector.broadcast %parallel_loop3A_335 : i32 to vector<16xi32>
      %parallel_loop3A_337 = arith.cmpi slt, %shift_right_arithmetic3A_61, %parallel_loop3A_336 : vector<16xi32>
      %parallel_loop3A_338 = arith.constant 16 : i32
      %parallel_loop3A_339 = vector.broadcast %parallel_loop3A_338 : i32 to vector<16xi32>
      %parallel_loop3A_340 = arith.addi %shift_right_arithmetic3A_61, %parallel_loop3A_339 : vector<16xi32>
      %parallel_loop3A_341 = arith.select %parallel_loop3A_337, %parallel_loop3A_340, %shift_right_arithmetic3A_61 : vector<16xi1>, vector<16xi32>
      %parallel_loop3A_342 = vector.shape_cast %parallel_loop3A_341 : vector<16xi32> to vector<16x1xi32>
      %parallel_loop3A_343 = vector.shape_cast %parallel_loop3A_342 : vector<16x1xi32> to vector<16xi32>
      %parallel_loop3A_344 = tpu.dynamic_gather %parallel_loop3A_284[%parallel_loop3A_343] in [0] : vector<16xi32>, vector<16xi32> -> vector<16xi32>
      %parallel_loop3A_345 = arith.addi %parallel_loop3A_344, %sub3A_65 : vector<16xi32>
      %parallel_loop3A_346 = tpu.vector_load_idx %arg6[%parallel_loop3A_345] : memref<180xf32, #tpu.memory_space<vmem>>[vector<16xi32>], vector<16xf32>,
      %parallel_loop3A_347 = arith.constant 0 : i32
      %parallel_loop3A_348 = vector.broadcast %parallel_loop3A_347 : i32 to vector<16xi32>
      %parallel_loop3A_349 = arith.cmpi slt, %shift_right_arithmetic3A_74, %parallel_loop3A_348 : vector<16xi32>
      %parallel_loop3A_350 = arith.constant 16 : i32
      %parallel_loop3A_351 = vector.broadcast %parallel_loop3A_350 : i32 to vector<16xi32>
      %parallel_loop3A_352 = arith.addi %shift_right_arithmetic3A_74, %parallel_loop3A_351 : vector<16xi32>
      %parallel_loop3A_353 = arith.select %parallel_loop3A_349, %parallel_loop3A_352, %shift_right_arithmetic3A_74 : vector<16xi1>, vector<16xi32>
      %parallel_loop3A_354 = vector.shape_cast %parallel_loop3A_353 : vector<16xi32> to vector<16x1xi32>
      %parallel_loop3A_355 = vector.shape_cast %parallel_loop3A_354 : vector<16x1xi32> to vector<16xi32>
      %parallel_loop3A_356 = tpu.dynamic_gather %parallel_loop3A_284[%parallel_loop3A_355] in [0] : vector<16xi32>, vector<16xi32> -> vector<16xi32>
      %parallel_loop3A_357 = arith.addi %parallel_loop3A_356, %sub3A_78 : vector<16xi32>
      %parallel_loop3A_358 = tpu.vector_load_idx %arg6[%parallel_loop3A_357] : memref<180xf32, #tpu.memory_space<vmem>>[vector<16xi32>], vector<16xf32>,
      %parallel_loop3A_359 = arith.constant 0 : i32
      %parallel_loop3A_360 = vector.broadcast %parallel_loop3A_359 : i32 to vector<16xi32>
      %parallel_loop3A_361 = arith.cmpi slt, %shift_right_arithmetic3A_87, %parallel_loop3A_360 : vector<16xi32>
      %parallel_loop3A_362 = arith.constant 16 : i32
      %parallel_loop3A_363 = vector.broadcast %parallel_loop3A_362 : i32 to vector<16xi32>
      %parallel_loop3A_364 = arith.addi %shift_right_arithmetic3A_87, %parallel_loop3A_363 : vector<16xi32>
      %parallel_loop3A_365 = arith.select %parallel_loop3A_361, %parallel_loop3A_364, %shift_right_arithmetic3A_87 : vector<16xi1>, vector<16xi32>
      %parallel_loop3A_366 = vector.shape_cast %parallel_loop3A_365 : vector<16xi32> to vector<16x1xi32>
      %parallel_loop3A_367 = vector.shape_cast %parallel_loop3A_366 : vector<16x1xi32> to vector<16xi32>
      %parallel_loop3A_368 = tpu.dynamic_gather %parallel_loop3A_284[%parallel_loop3A_367] in [0] : vector<16xi32>, vector<16xi32> -> vector<16xi32>
      %parallel_loop3A_369 = arith.addi %parallel_loop3A_368, %sub3A_91 : vector<16xi32>
      %parallel_loop3A_370 = tpu.vector_load_idx %arg6[%parallel_loop3A_369] : memref<180xf32, #tpu.memory_space<vmem>>[vector<16xi32>], vector<16xf32>,
      %parallel_loop3A_371 = arith.constant 0 : i32
      %parallel_loop3A_372 = vector.broadcast %parallel_loop3A_371 : i32 to vector<16xi32>
      %parallel_loop3A_373 = arith.cmpi slt, %shift_right_arithmetic3A_100, %parallel_loop3A_372 : vector<16xi32>
      %parallel_loop3A_374 = arith.constant 16 : i32
      %parallel_loop3A_375 = vector.broadcast %parallel_loop3A_374 : i32 to vector<16xi32>
      %parallel_loop3A_376 = arith.addi %shift_right_arithmetic3A_100, %parallel_loop3A_375 : vector<16xi32>
      %parallel_loop3A_377 = arith.select %parallel_loop3A_373, %parallel_loop3A_376, %shift_right_arithmetic3A_100 : vector<16xi1>, vector<16xi32>
      %parallel_loop3A_378 = vector.shape_cast %parallel_loop3A_377 : vector<16xi32> to vector<16x1xi32>
      %parallel_loop3A_379 = vector.shape_cast %parallel_loop3A_378 : vector<16x1xi32> to vector<16xi32>
      %parallel_loop3A_380 = tpu.dynamic_gather %parallel_loop3A_284[%parallel_loop3A_379] in [0] : vector<16xi32>, vector<16xi32> -> vector<16xi32>
      %parallel_loop3A_381 = arith.addi %parallel_loop3A_380, %sub3A_104 : vector<16xi32>
      %parallel_loop3A_382 = tpu.vector_load_idx %arg6[%parallel_loop3A_381] : memref<180xf32, #tpu.memory_space<vmem>>[vector<16xi32>], vector<16xf32>,
      %parallel_loop3A_383 = arith.constant 0 : i32
      %parallel_loop3A_384 = vector.broadcast %parallel_loop3A_383 : i32 to vector<16xi32>
      %parallel_loop3A_385 = arith.cmpi slt, %shift_right_arithmetic3A_113, %parallel_loop3A_384 : vector<16xi32>
      %parallel_loop3A_386 = arith.constant 16 : i32
      %parallel_loop3A_387 = vector.broadcast %parallel_loop3A_386 : i32 to vector<16xi32>
      %parallel_loop3A_388 = arith.addi %shift_right_arithmetic3A_113, %parallel_loop3A_387 : vector<16xi32>
      %parallel_loop3A_389 = arith.select %parallel_loop3A_385, %parallel_loop3A_388, %shift_right_arithmetic3A_113 : vector<16xi1>, vector<16xi32>
      %parallel_loop3A_390 = vector.shape_cast %parallel_loop3A_389 : vector<16xi32> to vector<16x1xi32>
      %parallel_loop3A_391 = vector.shape_cast %parallel_loop3A_390 : vector<16x1xi32> to vector<16xi32>
      %parallel_loop3A_392 = tpu.dynamic_gather %parallel_loop3A_284[%parallel_loop3A_391] in [0] : vector<16xi32>, vector<16xi32> -> vector<16xi32>
      %parallel_loop3A_393 = arith.addi %parallel_loop3A_392, %sub3A_117 : vector<16xi32>
      %parallel_loop3A_394 = tpu.vector_load_idx %arg6[%parallel_loop3A_393] : memref<180xf32, #tpu.memory_space<vmem>>[vector<16xi32>], vector<16xf32>,
      %parallel_loop3A_395 = arith.constant 0 : i32
      %parallel_loop3A_396 = vector.broadcast %parallel_loop3A_395 : i32 to vector<16xi32>
      %parallel_loop3A_397 = arith.cmpi slt, %shift_right_arithmetic3A_126, %parallel_loop3A_396 : vector<16xi32>
      %parallel_loop3A_398 = arith.constant 16 : i32
      %parallel_loop3A_399 = vector.broadcast %parallel_loop3A_398 : i32 to vector<16xi32>
      %parallel_loop3A_400 = arith.addi %shift_right_arithmetic3A_126, %parallel_loop3A_399 : vector<16xi32>
      %parallel_loop3A_401 = arith.select %parallel_loop3A_397, %parallel_loop3A_400, %shift_right_arithmetic3A_126 : vector<16xi1>, vector<16xi32>
      %parallel_loop3A_402 = vector.shape_cast %parallel_loop3A_401 : vector<16xi32> to vector<16x1xi32>
      %parallel_loop3A_403 = vector.shape_cast %parallel_loop3A_402 : vector<16x1xi32> to vector<16xi32>
      %parallel_loop3A_404 = tpu.dynamic_gather %parallel_loop3A_284[%parallel_loop3A_403] in [0] : vector<16xi32>, vector<16xi32> -> vector<16xi32>
      %parallel_loop3A_405 = arith.addi %parallel_loop3A_404, %sub3A_130 : vector<16xi32>
      %parallel_loop3A_406 = tpu.vector_load_idx %arg6[%parallel_loop3A_405] : memref<180xf32, #tpu.memory_space<vmem>>[vector<16xi32>], vector<16xf32>,
      %parallel_loop3A_407 = arith.constant 0 : i32
      %parallel_loop3A_408 = vector.broadcast %parallel_loop3A_407 : i32 to vector<16xi32>
      %parallel_loop3A_409 = arith.cmpi slt, %shift_right_arithmetic3A_139, %parallel_loop3A_408 : vector<16xi32>
      %parallel_loop3A_410 = arith.constant 16 : i32
      %parallel_loop3A_411 = vector.broadcast %parallel_loop3A_410 : i32 to vector<16xi32>
      %parallel_loop3A_412 = arith.addi %shift_right_arithmetic3A_139, %parallel_loop3A_411 : vector<16xi32>
      %parallel_loop3A_413 = arith.select %parallel_loop3A_409, %parallel_loop3A_412, %shift_right_arithmetic3A_139 : vector<16xi1>, vector<16xi32>
      %parallel_loop3A_414 = vector.shape_cast %parallel_loop3A_413 : vector<16xi32> to vector<16x1xi32>
      %parallel_loop3A_415 = vector.shape_cast %parallel_loop3A_414 : vector<16x1xi32> to vector<16xi32>
      %parallel_loop3A_416 = tpu.dynamic_gather %parallel_loop3A_284[%parallel_loop3A_415] in [0] : vector<16xi32>, vector<16xi32> -> vector<16xi32>
      %parallel_loop3A_417 = arith.addi %parallel_loop3A_416, %sub3A_143 : vector<16xi32>
      %parallel_loop3A_418 = tpu.vector_load_idx %arg6[%parallel_loop3A_417] : memref<180xf32, #tpu.memory_space<vmem>>[vector<16xi32>], vector<16xf32>,
      %parallel_loop3A_419 = arith.constant 0 : i32
      %parallel_loop3A_420 = vector.broadcast %parallel_loop3A_419 : i32 to vector<16xi32>
      %parallel_loop3A_421 = arith.cmpi slt, %shift_right_arithmetic3A_152, %parallel_loop3A_420 : vector<16xi32>
      %parallel_loop3A_422 = arith.constant 16 : i32
      %parallel_loop3A_423 = vector.broadcast %parallel_loop3A_422 : i32 to vector<16xi32>
      %parallel_loop3A_424 = arith.addi %shift_right_arithmetic3A_152, %parallel_loop3A_423 : vector<16xi32>
      %parallel_loop3A_425 = arith.select %parallel_loop3A_421, %parallel_loop3A_424, %shift_right_arithmetic3A_152 : vector<16xi1>, vector<16xi32>
      %parallel_loop3A_426 = vector.shape_cast %parallel_loop3A_425 : vector<16xi32> to vector<16x1xi32>
      %parallel_loop3A_427 = vector.shape_cast %parallel_loop3A_426 : vector<16x1xi32> to vector<16xi32>
      %parallel_loop3A_428 = tpu.dynamic_gather %parallel_loop3A_284[%parallel_loop3A_427] in [0] : vector<16xi32>, vector<16xi32> -> vector<16xi32>
      %parallel_loop3A_429 = arith.addi %parallel_loop3A_428, %sub3A_156 : vector<16xi32>
      %parallel_loop3A_430 = tpu.vector_load_idx %arg6[%parallel_loop3A_429] : memref<180xf32, #tpu.memory_space<vmem>>[vector<16xi32>], vector<16xf32>,
      %parallel_loop3A_431 = arith.constant 0 : i32
      %parallel_loop3A_432 = vector.broadcast %parallel_loop3A_431 : i32 to vector<16xi32>
      %parallel_loop3A_433 = arith.cmpi slt, %shift_right_arithmetic3A_165, %parallel_loop3A_432 : vector<16xi32>
      %parallel_loop3A_434 = arith.constant 16 : i32
      %parallel_loop3A_435 = vector.broadcast %parallel_loop3A_434 : i32 to vector<16xi32>
      %parallel_loop3A_436 = arith.addi %shift_right_arithmetic3A_165, %parallel_loop3A_435 : vector<16xi32>
      %parallel_loop3A_437 = arith.select %parallel_loop3A_433, %parallel_loop3A_436, %shift_right_arithmetic3A_165 : vector<16xi1>, vector<16xi32>
      %parallel_loop3A_438 = vector.shape_cast %parallel_loop3A_437 : vector<16xi32> to vector<16x1xi32>
      %parallel_loop3A_439 = vector.shape_cast %parallel_loop3A_438 : vector<16x1xi32> to vector<16xi32>
      %parallel_loop3A_440 = tpu.dynamic_gather %parallel_loop3A_284[%parallel_loop3A_439] in [0] : vector<16xi32>, vector<16xi32> -> vector<16xi32>
      %parallel_loop3A_441 = arith.addi %parallel_loop3A_440, %sub3A_169 : vector<16xi32>
      %parallel_loop3A_442 = tpu.vector_load_idx %arg6[%parallel_loop3A_441] : memref<180xf32, #tpu.memory_space<vmem>>[vector<16xi32>], vector<16xf32>,
      %parallel_loop3A_443 = arith.constant 0 : i32
      %parallel_loop3A_444 = vector.broadcast %parallel_loop3A_443 : i32 to vector<16xi32>
      %parallel_loop3A_445 = arith.cmpi slt, %shift_right_arithmetic3A_178, %parallel_loop3A_444 : vector<16xi32>
      %parallel_loop3A_446 = arith.constant 16 : i32
      %parallel_loop3A_447 = vector.broadcast %parallel_loop3A_446 : i32 to vector<16xi32>
      %parallel_loop3A_448 = arith.addi %shift_right_arithmetic3A_178, %parallel_loop3A_447 : vector<16xi32>
      %parallel_loop3A_449 = arith.select %parallel_loop3A_445, %parallel_loop3A_448, %shift_right_arithmetic3A_178 : vector<16xi1>, vector<16xi32>
      %parallel_loop3A_450 = vector.shape_cast %parallel_loop3A_449 : vector<16xi32> to vector<16x1xi32>
      %parallel_loop3A_451 = vector.shape_cast %parallel_loop3A_450 : vector<16x1xi32> to vector<16xi32>
      %parallel_loop3A_452 = tpu.dynamic_gather %parallel_loop3A_284[%parallel_loop3A_451] in [0] : vector<16xi32>, vector<16xi32> -> vector<16xi32>
      %parallel_loop3A_453 = arith.addi %parallel_loop3A_452, %sub3A_182 : vector<16xi32>
      %parallel_loop3A_454 = tpu.vector_load_idx %arg6[%parallel_loop3A_453] : memref<180xf32, #tpu.memory_space<vmem>>[vector<16xi32>], vector<16xf32>,
      %parallel_loop3A_455 = arith.constant 0 : i32
      %parallel_loop3A_456 = vector.broadcast %parallel_loop3A_455 : i32 to vector<16xi32>
      %parallel_loop3A_457 = arith.cmpi slt, %shift_right_arithmetic3A_191, %parallel_loop3A_456 : vector<16xi32>
      %parallel_loop3A_458 = arith.constant 16 : i32
      %parallel_loop3A_459 = vector.broadcast %parallel_loop3A_458 : i32 to vector<16xi32>
      %parallel_loop3A_460 = arith.addi %shift_right_arithmetic3A_191, %parallel_loop3A_459 : vector<16xi32>
      %parallel_loop3A_461 = arith.select %parallel_loop3A_457, %parallel_loop3A_460, %shift_right_arithmetic3A_191 : vector<16xi1>, vector<16xi32>
      %parallel_loop3A_462 = vector.shape_cast %parallel_loop3A_461 : vector<16xi32> to vector<16x1xi32>
      %parallel_loop3A_463 = vector.shape_cast %parallel_loop3A_462 : vector<16x1xi32> to vector<16xi32>
      %parallel_loop3A_464 = tpu.dynamic_gather %parallel_loop3A_284[%parallel_loop3A_463] in [0] : vector<16xi32>, vector<16xi32> -> vector<16xi32>
      %parallel_loop3A_465 = arith.addi %parallel_loop3A_464, %sub3A_195 : vector<16xi32>
      %parallel_loop3A_466 = tpu.vector_load_idx %arg6[%parallel_loop3A_465] : memref<180xf32, #tpu.memory_space<vmem>>[vector<16xi32>], vector<16xf32>,
      %parallel_loop3A_467 = arith.constant 0 : i32
      %parallel_loop3A_468 = vector.broadcast %parallel_loop3A_467 : i32 to vector<16xi32>
      %parallel_loop3A_469 = arith.cmpi slt, %shift_right_arithmetic3A_204, %parallel_loop3A_468 : vector<16xi32>
      %parallel_loop3A_470 = arith.constant 16 : i32
      %parallel_loop3A_471 = vector.broadcast %parallel_loop3A_470 : i32 to vector<16xi32>
      %parallel_loop3A_472 = arith.addi %shift_right_arithmetic3A_204, %parallel_loop3A_471 : vector<16xi32>
      %parallel_loop3A_473 = arith.select %parallel_loop3A_469, %parallel_loop3A_472, %shift_right_arithmetic3A_204 : vector<16xi1>, vector<16xi32>
      %parallel_loop3A_474 = vector.shape_cast %parallel_loop3A_473 : vector<16xi32> to vector<16x1xi32>
      %parallel_loop3A_475 = vector.shape_cast %parallel_loop3A_474 : vector<16x1xi32> to vector<16xi32>
      %parallel_loop3A_476 = tpu.dynamic_gather %parallel_loop3A_284[%parallel_loop3A_475] in [0] : vector<16xi32>, vector<16xi32> -> vector<16xi32>
      %parallel_loop3A_477 = arith.addi %parallel_loop3A_476, %sub3A_208 : vector<16xi32>
      %parallel_loop3A_478 = tpu.vector_load_idx %arg6[%parallel_loop3A_477] : memref<180xf32, #tpu.memory_space<vmem>>[vector<16xi32>], vector<16xf32>,
      %parallel_loop3A_479 = arith.constant 0 : i32
      %parallel_loop3A_480 = vector.broadcast %parallel_loop3A_479 : i32 to vector<16xi32>
      %parallel_loop3A_481 = arith.cmpi slt, %shift_right_arithmetic3A_217, %parallel_loop3A_480 : vector<16xi32>
      %parallel_loop3A_482 = arith.constant 16 : i32
      %parallel_loop3A_483 = vector.broadcast %parallel_loop3A_482 : i32 to vector<16xi32>
      %parallel_loop3A_484 = arith.addi %shift_right_arithmetic3A_217, %parallel_loop3A_483 : vector<16xi32>
      %parallel_loop3A_485 = arith.select %parallel_loop3A_481, %parallel_loop3A_484, %shift_right_arithmetic3A_217 : vector<16xi1>, vector<16xi32>
      %parallel_loop3A_486 = vector.shape_cast %parallel_loop3A_485 : vector<16xi32> to vector<16x1xi32>
      %parallel_loop3A_487 = vector.shape_cast %parallel_loop3A_486 : vector<16x1xi32> to vector<16xi32>
      %parallel_loop3A_488 = tpu.dynamic_gather %parallel_loop3A_284[%parallel_loop3A_487] in [0] : vector<16xi32>, vector<16xi32> -> vector<16xi32>
      %parallel_loop3A_489 = arith.addi %parallel_loop3A_488, %sub3A_221 : vector<16xi32>
      %parallel_loop3A_490 = tpu.vector_load_idx %arg6[%parallel_loop3A_489] : memref<180xf32, #tpu.memory_space<vmem>>[vector<16xi32>], vector<16xf32>,
      %parallel_loop3A_491 = arith.constant 0 : i32
      %parallel_loop3A_492 = vector.broadcast %parallel_loop3A_491 : i32 to vector<16xi32>
      %parallel_loop3A_493 = arith.cmpi slt, %shift_right_arithmetic3A_230, %parallel_loop3A_492 : vector<16xi32>
      %parallel_loop3A_494 = arith.constant 16 : i32
      %parallel_loop3A_495 = vector.broadcast %parallel_loop3A_494 : i32 to vector<16xi32>
      %parallel_loop3A_496 = arith.addi %shift_right_arithmetic3A_230, %parallel_loop3A_495 : vector<16xi32>
      %parallel_loop3A_497 = arith.select %parallel_loop3A_493, %parallel_loop3A_496, %shift_right_arithmetic3A_230 : vector<16xi1>, vector<16xi32>
      %parallel_loop3A_498 = vector.shape_cast %parallel_loop3A_497 : vector<16xi32> to vector<16x1xi32>
      %parallel_loop3A_499 = vector.shape_cast %parallel_loop3A_498 : vector<16x1xi32> to vector<16xi32>
      %parallel_loop3A_500 = tpu.dynamic_gather %parallel_loop3A_284[%parallel_loop3A_499] in [0] : vector<16xi32>, vector<16xi32> -> vector<16xi32>
      %parallel_loop3A_501 = arith.addi %parallel_loop3A_500, %sub3A_234 : vector<16xi32>
      %parallel_loop3A_502 = tpu.vector_load_idx %arg6[%parallel_loop3A_501] : memref<180xf32, #tpu.memory_space<vmem>>[vector<16xi32>], vector<16xf32>,
      %parallel_loop3A_503 = arith.constant 0 : i32
      %parallel_loop3A_504 = vector.broadcast %parallel_loop3A_503 : i32 to vector<16xi32>
      %parallel_loop3A_505 = arith.cmpi slt, %shift_right_arithmetic3A_243, %parallel_loop3A_504 : vector<16xi32>
      %parallel_loop3A_506 = arith.constant 16 : i32
      %parallel_loop3A_507 = vector.broadcast %parallel_loop3A_506 : i32 to vector<16xi32>
      %parallel_loop3A_508 = arith.addi %shift_right_arithmetic3A_243, %parallel_loop3A_507 : vector<16xi32>
      %parallel_loop3A_509 = arith.select %parallel_loop3A_505, %parallel_loop3A_508, %shift_right_arithmetic3A_243 : vector<16xi1>, vector<16xi32>
      %parallel_loop3A_510 = vector.shape_cast %parallel_loop3A_509 : vector<16xi32> to vector<16x1xi32>
      %parallel_loop3A_511 = vector.shape_cast %parallel_loop3A_510 : vector<16x1xi32> to vector<16xi32>
      %parallel_loop3A_512 = tpu.dynamic_gather %parallel_loop3A_284[%parallel_loop3A_511] in [0] : vector<16xi32>, vector<16xi32> -> vector<16xi32>
      %parallel_loop3A_513 = arith.addi %parallel_loop3A_512, %sub3A_247 : vector<16xi32>
      %parallel_loop3A_514 = tpu.vector_load_idx %arg6[%parallel_loop3A_513] : memref<180xf32, #tpu.memory_space<vmem>>[vector<16xi32>], vector<16xf32>,
      %parallel_loop3A_515 = arith.constant 0 : i32
      %parallel_loop3A_516 = vector.broadcast %parallel_loop3A_515 : i32 to vector<16xi32>
      %parallel_loop3A_517 = arith.cmpi slt, %shift_right_arithmetic3A_256, %parallel_loop3A_516 : vector<16xi32>
      %parallel_loop3A_518 = arith.constant 16 : i32
      %parallel_loop3A_519 = vector.broadcast %parallel_loop3A_518 : i32 to vector<16xi32>
      %parallel_loop3A_520 = arith.addi %shift_right_arithmetic3A_256, %parallel_loop3A_519 : vector<16xi32>
      %parallel_loop3A_521 = arith.select %parallel_loop3A_517, %parallel_loop3A_520, %shift_right_arithmetic3A_256 : vector<16xi1>, vector<16xi32>
      %parallel_loop3A_522 = vector.shape_cast %parallel_loop3A_521 : vector<16xi32> to vector<16x1xi32>
      %parallel_loop3A_523 = vector.shape_cast %parallel_loop3A_522 : vector<16x1xi32> to vector<16xi32>
      %parallel_loop3A_524 = tpu.dynamic_gather %parallel_loop3A_284[%parallel_loop3A_523] in [0] : vector<16xi32>, vector<16xi32> -> vector<16xi32>
      %parallel_loop3A_525 = arith.addi %parallel_loop3A_524, %sub3A_260 : vector<16xi32>
      %parallel_loop3A_526 = tpu.vector_load_idx %arg6[%parallel_loop3A_525] : memref<180xf32, #tpu.memory_space<vmem>>[vector<16xi32>], vector<16xf32>,
      %parallel_loop3A_527 = arith.constant 0 : i32
      %parallel_loop3A_528 = arith.addi %parallel_loop3A_286, %parallel_loop3A_527 : i32
      %parallel_loop3A_529 = arith.index_cast %parallel_loop3A_528 : i32 to index
      %parallel_loop3A_530 = tpu.vector_load %arg7[%parallel_loop3A_529] {strides = array<i32>} : memref<10240xf32, #tpu.memory_space<vmem>>, vector<16xf32>,
      tpu.vector_store %arg7[%parallel_loop3A_529], %parallel_loop3A_298 {strides = array<i32>} : memref<10240xf32, #tpu.memory_space<vmem>>, vector<16xf32>,
      %parallel_loop3A_531 = arith.constant 16 : i32
      %parallel_loop3A_532 = arith.addi %parallel_loop3A_286, %parallel_loop3A_531 : i32
      %parallel_loop3A_533 = arith.index_cast %parallel_loop3A_532 : i32 to index
      %parallel_loop3A_534 = tpu.vector_load %arg7[%parallel_loop3A_533] {strides = array<i32>} : memref<10240xf32, #tpu.memory_space<vmem>>, vector<16xf32>,
      tpu.vector_store %arg7[%parallel_loop3A_533], %parallel_loop3A_310 {strides = array<i32>} : memref<10240xf32, #tpu.memory_space<vmem>>, vector<16xf32>,
      %parallel_loop3A_535 = arith.constant 32 : i32
      %parallel_loop3A_536 = arith.addi %parallel_loop3A_286, %parallel_loop3A_535 : i32
      %parallel_loop3A_537 = arith.index_cast %parallel_loop3A_536 : i32 to index
      %parallel_loop3A_538 = tpu.vector_load %arg7[%parallel_loop3A_537] {strides = array<i32>} : memref<10240xf32, #tpu.memory_space<vmem>>, vector<16xf32>,
      tpu.vector_store %arg7[%parallel_loop3A_537], %parallel_loop3A_322 {strides = array<i32>} : memref<10240xf32, #tpu.memory_space<vmem>>, vector<16xf32>,
      %parallel_loop3A_539 = arith.constant 48 : i32
      %parallel_loop3A_540 = arith.addi %parallel_loop3A_286, %parallel_loop3A_539 : i32
      %parallel_loop3A_541 = arith.index_cast %parallel_loop3A_540 : i32 to index
      %parallel_loop3A_542 = tpu.vector_load %arg7[%parallel_loop3A_541] {strides = array<i32>} : memref<10240xf32, #tpu.memory_space<vmem>>, vector<16xf32>,
      tpu.vector_store %arg7[%parallel_loop3A_541], %parallel_loop3A_334 {strides = array<i32>} : memref<10240xf32, #tpu.memory_space<vmem>>, vector<16xf32>,
      %parallel_loop3A_543 = arith.constant 64 : i32
      %parallel_loop3A_544 = arith.addi %parallel_loop3A_286, %parallel_loop3A_543 : i32
      %parallel_loop3A_545 = arith.index_cast %parallel_loop3A_544 : i32 to index
      %parallel_loop3A_546 = tpu.vector_load %arg7[%parallel_loop3A_545] {strides = array<i32>} : memref<10240xf32, #tpu.memory_space<vmem>>, vector<16xf32>,
      tpu.vector_store %arg7[%parallel_loop3A_545], %parallel_loop3A_346 {strides = array<i32>} : memref<10240xf32, #tpu.memory_space<vmem>>, vector<16xf32>,
      %parallel_loop3A_547 = arith.constant 80 : i32
      %parallel_loop3A_548 = arith.addi %parallel_loop3A_286, %parallel_loop3A_547 : i32
      %parallel_loop3A_549 = arith.index_cast %parallel_loop3A_548 : i32 to index
      %parallel_loop3A_550 = tpu.vector_load %arg7[%parallel_loop3A_549] {strides = array<i32>} : memref<10240xf32, #tpu.memory_space<vmem>>, vector<16xf32>,
      tpu.vector_store %arg7[%parallel_loop3A_549], %parallel_loop3A_358 {strides = array<i32>} : memref<10240xf32, #tpu.memory_space<vmem>>, vector<16xf32>,
      %parallel_loop3A_551 = arith.constant 96 : i32
      %parallel_loop3A_552 = arith.addi %parallel_loop3A_286, %parallel_loop3A_551 : i32
      %parallel_loop3A_553 = arith.index_cast %parallel_loop3A_552 : i32 to index
      %parallel_loop3A_554 = tpu.vector_load %arg7[%parallel_loop3A_553] {strides = array<i32>} : memref<10240xf32, #tpu.memory_space<vmem>>, vector<16xf32>,
      tpu.vector_store %arg7[%parallel_loop3A_553], %parallel_loop3A_370 {strides = array<i32>} : memref<10240xf32, #tpu.memory_space<vmem>>, vector<16xf32>,
      %parallel_loop3A_555 = arith.constant 112 : i32
      %parallel_loop3A_556 = arith.addi %parallel_loop3A_286, %parallel_loop3A_555 : i32
      %parallel_loop3A_557 = arith.index_cast %parallel_loop3A_556 : i32 to index
      %parallel_loop3A_558 = tpu.vector_load %arg7[%parallel_loop3A_557] {strides = array<i32>} : memref<10240xf32, #tpu.memory_space<vmem>>, vector<16xf32>,
      tpu.vector_store %arg7[%parallel_loop3A_557], %parallel_loop3A_382 {strides = array<i32>} : memref<10240xf32, #tpu.memory_space<vmem>>, vector<16xf32>,
      %parallel_loop3A_559 = arith.constant 128 : i32
      %parallel_loop3A_560 = arith.addi %parallel_loop3A_286, %parallel_loop3A_559 : i32
      %parallel_loop3A_561 = arith.index_cast %parallel_loop3A_560 : i32 to index
      %parallel_loop3A_562 = tpu.vector_load %arg7[%parallel_loop3A_561] {strides = array<i32>} : memref<10240xf32, #tpu.memory_space<vmem>>, vector<16xf32>,
      tpu.vector_store %arg7[%parallel_loop3A_561], %parallel_loop3A_394 {strides = array<i32>} : memref<10240xf32, #tpu.memory_space<vmem>>, vector<16xf32>,
      %parallel_loop3A_563 = arith.constant 144 : i32
      %parallel_loop3A_564 = arith.addi %parallel_loop3A_286, %parallel_loop3A_563 : i32
      %parallel_loop3A_565 = arith.index_cast %parallel_loop3A_564 : i32 to index
      %parallel_loop3A_566 = tpu.vector_load %arg7[%parallel_loop3A_565] {strides = array<i32>} : memref<10240xf32, #tpu.memory_space<vmem>>, vector<16xf32>,
      tpu.vector_store %arg7[%parallel_loop3A_565], %parallel_loop3A_406 {strides = array<i32>} : memref<10240xf32, #tpu.memory_space<vmem>>, vector<16xf32>,
      %parallel_loop3A_567 = arith.constant 160 : i32
      %parallel_loop3A_568 = arith.addi %parallel_loop3A_286, %parallel_loop3A_567 : i32
      %parallel_loop3A_569 = arith.index_cast %parallel_loop3A_568 : i32 to index
      %parallel_loop3A_570 = tpu.vector_load %arg7[%parallel_loop3A_569] {strides = array<i32>} : memref<10240xf32, #tpu.memory_space<vmem>>, vector<16xf32>,
      tpu.vector_store %arg7[%parallel_loop3A_569], %parallel_loop3A_418 {strides = array<i32>} : memref<10240xf32, #tpu.memory_space<vmem>>, vector<16xf32>,
      %parallel_loop3A_571 = arith.constant 176 : i32
      %parallel_loop3A_572 = arith.addi %parallel_loop3A_286, %parallel_loop3A_571 : i32
      %parallel_loop3A_573 = arith.index_cast %parallel_loop3A_572 : i32 to index
      %parallel_loop3A_574 = tpu.vector_load %arg7[%parallel_loop3A_573] {strides = array<i32>} : memref<10240xf32, #tpu.memory_space<vmem>>, vector<16xf32>,
      tpu.vector_store %arg7[%parallel_loop3A_573], %parallel_loop3A_430 {strides = array<i32>} : memref<10240xf32, #tpu.memory_space<vmem>>, vector<16xf32>,
      %parallel_loop3A_575 = arith.constant 192 : i32
      %parallel_loop3A_576 = arith.addi %parallel_loop3A_286, %parallel_loop3A_575 : i32
      %parallel_loop3A_577 = arith.index_cast %parallel_loop3A_576 : i32 to index
      %parallel_loop3A_578 = tpu.vector_load %arg7[%parallel_loop3A_577] {strides = array<i32>} : memref<10240xf32, #tpu.memory_space<vmem>>, vector<16xf32>,
      tpu.vector_store %arg7[%parallel_loop3A_577], %parallel_loop3A_442 {strides = array<i32>} : memref<10240xf32, #tpu.memory_space<vmem>>, vector<16xf32>,
      %parallel_loop3A_579 = arith.constant 208 : i32
      %parallel_loop3A_580 = arith.addi %parallel_loop3A_286, %parallel_loop3A_579 : i32
      %parallel_loop3A_581 = arith.index_cast %parallel_loop3A_580 : i32 to index
      %parallel_loop3A_582 = tpu.vector_load %arg7[%parallel_loop3A_581] {strides = array<i32>} : memref<10240xf32, #tpu.memory_space<vmem>>, vector<16xf32>,
      tpu.vector_store %arg7[%parallel_loop3A_581], %parallel_loop3A_454 {strides = array<i32>} : memref<10240xf32, #tpu.memory_space<vmem>>, vector<16xf32>,
      %parallel_loop3A_583 = arith.constant 224 : i32
      %parallel_loop3A_584 = arith.addi %parallel_loop3A_286, %parallel_loop3A_583 : i32
      %parallel_loop3A_585 = arith.index_cast %parallel_loop3A_584 : i32 to index
      %parallel_loop3A_586 = tpu.vector_load %arg7[%parallel_loop3A_585] {strides = array<i32>} : memref<10240xf32, #tpu.memory_space<vmem>>, vector<16xf32>,
      tpu.vector_store %arg7[%parallel_loop3A_585], %parallel_loop3A_466 {strides = array<i32>} : memref<10240xf32, #tpu.memory_space<vmem>>, vector<16xf32>,
      %parallel_loop3A_587 = arith.constant 240 : i32
      %parallel_loop3A_588 = arith.addi %parallel_loop3A_286, %parallel_loop3A_587 : i32
      %parallel_loop3A_589 = arith.index_cast %parallel_loop3A_588 : i32 to index
      %parallel_loop3A_590 = tpu.vector_load %arg7[%parallel_loop3A_589] {strides = array<i32>} : memref<10240xf32, #tpu.memory_space<vmem>>, vector<16xf32>,
      tpu.vector_store %arg7[%parallel_loop3A_589], %parallel_loop3A_478 {strides = array<i32>} : memref<10240xf32, #tpu.memory_space<vmem>>, vector<16xf32>,
      %parallel_loop3A_591 = arith.constant 256 : i32
      %parallel_loop3A_592 = arith.addi %parallel_loop3A_286, %parallel_loop3A_591 : i32
      %parallel_loop3A_593 = arith.index_cast %parallel_loop3A_592 : i32 to index
      %parallel_loop3A_594 = tpu.vector_load %arg7[%parallel_loop3A_593] {strides = array<i32>} : memref<10240xf32, #tpu.memory_space<vmem>>, vector<16xf32>,
      tpu.vector_store %arg7[%parallel_loop3A_593], %parallel_loop3A_490 {strides = array<i32>} : memref<10240xf32, #tpu.memory_space<vmem>>, vector<16xf32>,
      %parallel_loop3A_595 = arith.constant 272 : i32
      %parallel_loop3A_596 = arith.addi %parallel_loop3A_286, %parallel_loop3A_595 : i32
      %parallel_loop3A_597 = arith.index_cast %parallel_loop3A_596 : i32 to index
      %parallel_loop3A_598 = tpu.vector_load %arg7[%parallel_loop3A_597] {strides = array<i32>} : memref<10240xf32, #tpu.memory_space<vmem>>, vector<16xf32>,
      tpu.vector_store %arg7[%parallel_loop3A_597], %parallel_loop3A_502 {strides = array<i32>} : memref<10240xf32, #tpu.memory_space<vmem>>, vector<16xf32>,
      %parallel_loop3A_599 = arith.constant 288 : i32
      %parallel_loop3A_600 = arith.addi %parallel_loop3A_286, %parallel_loop3A_599 : i32
      %parallel_loop3A_601 = arith.index_cast %parallel_loop3A_600 : i32 to index
      %parallel_loop3A_602 = tpu.vector_load %arg7[%parallel_loop3A_601] {strides = array<i32>} : memref<10240xf32, #tpu.memory_space<vmem>>, vector<16xf32>,
      tpu.vector_store %arg7[%parallel_loop3A_601], %parallel_loop3A_514 {strides = array<i32>} : memref<10240xf32, #tpu.memory_space<vmem>>, vector<16xf32>,
      %parallel_loop3A_603 = arith.constant 304 : i32
      %parallel_loop3A_604 = arith.addi %parallel_loop3A_286, %parallel_loop3A_603 : i32
      %parallel_loop3A_605 = arith.index_cast %parallel_loop3A_604 : i32 to index
      %parallel_loop3A_606 = tpu.vector_load %arg7[%parallel_loop3A_605] {strides = array<i32>} : memref<10240xf32, #tpu.memory_space<vmem>>, vector<16xf32>,
      tpu.vector_store %arg7[%parallel_loop3A_605], %parallel_loop3A_526 {strides = array<i32>} : memref<10240xf32, #tpu.memory_space<vmem>>, vector<16xf32>,
    } {sc.loop_unroll_factor = 1 : i64, sc.parallel_access}
    %mul3A_263 = arith.constant 20 : i32
    %mul3A_264 = arith.muli %mul3A_2, %mul3A_263 : i32
    "tpu.region"() ({
      %run_scoped3A = tpu.sem_alloc : memref<!tpu.dma_semaphore, #tpu.memory_space<semaphore_mem>>
      %dma_start3A = tpu.memref_slice %arg4[%mul3A_264] : memref<327680xf32, #tpu.memory_space<hbm>> -> memref<10240xf32, #tpu.memory_space<hbm>>
      %dma_start3A_265 = tpu.memref_slice %arg4[%mul3A_264] : memref<327680xf32, #tpu.memory_space<hbm>> -> memref<10240xf32, #tpu.memory_space<hbm>>
      tpu.enqueue_dma source(%arg7 : memref<10240xf32, #tpu.memory_space<vmem>>) target(%dma_start3A_265 : memref<10240xf32, #tpu.memory_space<hbm>>) target_semaphore(%run_scoped3A : memref<!tpu.dma_semaphore, #tpu.memory_space<semaphore_mem>>)
      %dma_wait3A = tpu.memref_slice %arg4[%mul3A_264] : memref<327680xf32, #tpu.memory_space<hbm>> -> memref<10240xf32, #tpu.memory_space<hbm>>
      %dma_wait3A_266 = tpu.memref_slice %arg4[%mul3A_264] : memref<327680xf32, #tpu.memory_space<hbm>> -> memref<10240xf32, #tpu.memory_space<hbm>>
      tpu.wait_dma2 semaphore(%run_scoped3A : memref<!tpu.dma_semaphore, #tpu.memory_space<semaphore_mem>>) src(%arg7 : memref<10240xf32, #tpu.memory_space<vmem>>) dst(%dma_wait3A_266 : memref<10240xf32, #tpu.memory_space<hbm>>)
      tpu.yield
    }) : () -> ()
    return
  }
}

</mosaic_0001>

<sc_bundles>
// kernel: kernel.3.cloned.1.call-start
scs
__scs_entry_jumppad:
0x0: {  	(pc) =	sbr.rel $0x88, $3  }
0x1: {  	(tag) =	ssettag $0x0;
	lr =	simm.s32 $0x1  }
0x2: {  	[smem:$0x3F9F] =	sst lr;
	_ =	strace $0xD0000000  }
0x3: {  	_ = 	snop  }
0x4: {  	_ = 	snop  }
0x5: {  	_ = 	snop  }
0x6: {  	_ = 	snop  }
0x7: {  	_ = 	snop  }
__scs_overlays_trampoline_lowered:
0x8: {  	[smem:$0x3FAE] =	sst s0  }
0x9: {  	[smem:$0x3FAF] =	sst s1  }
0xa: {  	[smem:$0x3FB0] =	sst s2  }
0xb: {  	[smem:$0x3FB1] =	sst s3  }
0xc: {  	[smem:$0x3FB2] =	sst s4  }
0xd: {  	[smem:$0x3FB3] =	sst s5  }
0xe: {  	[smem:$0x3FB4] =	sst s6  }
0xf: {  	[smem:$0x3FB5] =	sst s7  }
0x10: {  	[smem:$0x3FB6] =	sst s8  }
0x11: {  	[smem:$0x3FB7] =	sst s9;
	s0 =	simm.s32 @!p0 $0x0  }
0x12: {  	s1 =	sld [smem:$0x3F9D];
	s0 =	simm.s32 @p0 $0x1  }
0x13: {  	[smem:$0x3FB8] =	sst s0;
	s0 =	simm.s32 @!p1 $0x0  }
0x14: {  	s2 =	sld [smem:$0x3F9C];
	s0 =	simm.s32 @p1 $0x1  }
0x15: {  	[smem:$0x3FB9] =	sst s0;
	s0 =	simm.s32 @!p2 $0x0  }
0x16: {  	s3 =	sld [smem:$0x3FDB];
	s0 =	simm.s32 @p2 $0x1  }
0x17: {  	s4 =	simm.s32 $0x1BF5;
	[smem:$0x3FBB] =	sst s0  }
0x18: {  	s0 =	sld [smem:$0x3F9E];
	_ =	swait.ge [sflag:s4], $0x0  }
0x19: {  	s7 =	sld [smem:$0x3F9F]  }
0x1a: {  	s8 =	sadd.s32 $0xFFFFE003, lr  }
0x1b: {  	s9 =	sadd.s32 $0xFFFFFEF7, lr;
	s5 =	simm.s32 $0xFFFFFFFF;
	p2 =	slt.u32 s8, $0xFFFFF086  }
0x1c: {  	p1 =	slt.u32 s9, $0xF7A;
	s5 =	simm.s32 @!p2 $0x0  }
0x1d: {  	s5 =	simm.s32 @p1 $0x1;
	p0 =	seq.s32 s7, s2  }
0x1e: {  	s7 =	smul.u32 @!p0 $0xF7A, s2;
	p2 =	seq.s32 @!p0 s5, $0x0  }
0x1f: {  	s9 =	smul.u32 $0xF7A, s1;
	s8 =	simm.s32 @!p0 $0x1BF5;
	p2 =	por !p2, p0  }
0x20: {  	[sflag:s8] =	ssyncset.s32 @!p0 $0xFFFFF086;
	s6 =	sadd.s32 @!p0 s3, s7;
	s7 =	simm.s32 @!p0 $0x108  }
0x21: {  	s3 =	sadd.s32 s3, s9;
	s6 =	sadd.s32 @!p0 $0x88, s6;
	s7 =	simm.s32 @p2 $0x1082  }
0x22: {  	[simem:s7], [sflag:s8] =	dma.local @!p0 [hbm:s6], $0xF7A  }
0x23: {  	s9 =	sor.u32 $0xD0000000, s2;
	s6 =	simm.s32 $0x108;
	_ =	swait.ge @!p0 [sflag:s8], $0x0  }
0x24: {  	s3 =	sadd.s32 $0x88, s3;
	s6 =	simm.s32 @!p1 $0x1082;
	[sflag:s4] =	ssyncset.s32 $0xFFFFF086  }
0x25: {  	[simem:s6], [sflag:s4] =	dma.local [hbm:s3], $0xF7A  }
0x26: {  	[smem:$0x3F9F] =	sst s1;
	(tag) =	ssettag s2;
	_ =	strace s9  }
0x27: {  	s1 =	sld [smem:$0x3FAF]  }
0x28: {  	s2 =	sld [smem:$0x3FB0]  }
0x29: {  	s4 =	sld [smem:$0x3FB2]  }
0x2a: {  	p0 =	seq.s32 s5, $0x0;
	s5 =	sld [smem:$0x3FB3]  }
0x2b: {  	s6 =	sld [smem:$0x3FB4]  }
0x2c: {  	s7 =	sld [smem:$0x3FB5]  }
0x2d: {  	s3 =	simm.s32 $0x108;
	s8 =	sld [smem:$0x3FB6]  }
0x2e: {  	s3 =	simm.s32 @!p0 $0x1082;
	s9 =	sld [smem:$0x3FB7]  }
0x2f: {  	lr =	sadd.s32 s0, s3;
	s0 =	sld [smem:$0x3FAE]  }
0x30: {  	s3 =	sld [smem:$0x3FB1]  }
0x31: {  	[smem:$0x3FBA] =	sst s10  }
0x32: {  	s10 =	sld [smem:$0x3FB8];
	_ =	sdelay $0x3  }
0x33: {  	p0 =	seq.s32 s10, $0x1;
	s10 =	sld [smem:$0x3FBA];
	_ =	sdelay $0x3  }
0x34: {  	[smem:$0x3FBA] =	sst s10  }
0x35: {  	s10 =	sld [smem:$0x3FB9];
	_ =	sdelay $0x3  }
0x36: {  	p1 =	seq.s32 s10, $0x1;
	s10 =	sld [smem:$0x3FBA];
	_ =	sdelay $0x3  }
0x37: {  	[smem:$0x3FBA] =	sst s10  }
0x38: {  	s10 =	sld [smem:$0x3FBB]  }
0x39: {  	_ = 	snop;
	(pc) =	sbr.ind lr, $3  }
0x3a: {  	_ = 	snop  }
0x3b: {  	_ = 	snop  }
0x3c: {  	p2 =	seq.s32 s10, $0x1;
	s10 =	sld [smem:$0x3FBA]  }
0x3d: {  	_ =	shalt  }
0x3e: {  	_ =	shalt  }
0x3f: {  	_ =	shalt  }
0x40: {  	_ =	shalt  }
0x41: {  	_ =	shalt  }
0x42: {  	_ =	shalt  }
0x43: {  	_ =	shalt  }
0x44: {  	_ =	shalt  }
0x45: {  	_ =	shalt  }
0x46: {  	_ =	shalt  }
0x47: {  	_ =	shalt  }
0x48: {  	_ =	shalt  }
0x49: {  	_ =	shalt  }
0x4a: {  	_ =	shalt  }
0x4b: {  	_ =	shalt  }
0x4c: {  	_ =	shalt  }
0x4d: {  	_ =	shalt  }
0x4e: {  	_ =	shalt  }
0x4f: {  	_ =	shalt  }
0x50: {  	_ =	shalt  }
0x51: {  	_ =	shalt  }
0x52: {  	_ =	shalt  }
0x53: {  	_ =	shalt  }
0x54: {  	_ =	shalt  }
0x55: {  	_ =	shalt  }
0x56: {  	_ =	shalt  }
0x57: {  	_ =	shalt  }
0x58: {  	_ =	shalt  }
0x59: {  	_ =	shalt  }
0x5a: {  	_ =	shalt  }
0x5b: {  	_ =	shalt  }
0x5c: {  	_ =	shalt  }
0x5d: {  	_ =	shalt  }
0x5e: {  	_ =	shalt  }
0x5f: {  	_ =	shalt  }
0x60: {  	_ =	shalt  }
0x61: {  	_ =	shalt  }
0x62: {  	_ =	shalt  }
0x63: {  	_ =	shalt  }
0x64: {  	_ =	shalt  }
0x65: {  	_ =	shalt  }
0x66: {  	_ =	shalt  }
0x67: {  	_ =	shalt  }
0x68: {  	_ =	shalt  }
0x69: {  	_ =	shalt  }
0x6a: {  	_ =	shalt  }
0x6b: {  	_ =	shalt  }
0x6c: {  	_ =	shalt  }
0x6d: {  	_ =	shalt  }
0x6e: {  	_ =	shalt  }
0x6f: {  	_ =	shalt  }
0x70: {  	_ =	shalt  }
0x71: {  	_ =	shalt  }
0x72: {  	_ =	shalt  }
0x73: {  	_ =	shalt  }
0x74: {  	_ =	shalt  }
0x75: {  	_ =	shalt  }
0x76: {  	_ =	shalt  }
0x77: {  	_ =	shalt  }
0x78: {  	_ =	shalt  }
0x79: {  	_ =	shalt  }
0x7a: {  	_ =	shalt  }
0x7b: {  	_ =	shalt  }
0x7c: {  	_ =	shalt  }
0x7d: {  	_ =	shalt  }
0x7e: {  	_ =	shalt  }
0x7f: {  	_ =	shalt  }
0x80: {  	_ =	shalt  }
0x81: {  	_ =	shalt  }
0x82: {  	_ =	shalt  }
0x83: {  	_ =	shalt  }
0x84: {  	_ =	shalt  }
0x85: {  	_ =	shalt  }
0x86: {  	_ =	shalt  }
0x87: {  	_ =	shalt  }
.Lfunc_end0:
.L_simem_size_0:
called_computation_lowered:
.L_overlay_start_0:
0x88: {  	s2 =	sld [smem:$0x3FD9]  }
0x89: {  	s3 =	sld [smem:$0x3FFE];
	_ =	sdelay $0x1  }
0x8a: {  	s1 =	srdreg.scid  }
0x8b: {  	s0 =	sand.u32 $0x1, s1  }
0x8c: {  	s17 =	sshll.u32 s0, $0xA;
	s2 =	sadd.s32 s3, s2  }
0x8d: {  	s2 =	sadd.s32 s2, s17  }
0x8e: {  	[smem:$0x3FC6] =	sst s2  }
0x8f: {  	_ = 	snop  }
0x90: {  	s2 =	sld [smem:$0x3FC9]  }
0x91: {  	s18 =	sld [smem:$0x3FD0];
	(tm) =	ssettm $0x1  }
0x92: {  	s4 =	sld [smem:$0x3FFB];
	_ =	sdelay $0x3  }
0x93: {  	_ =	strace s4  }
0x94: {  	s4 =	sld [smem:$0x3FFC];
	_ =	sdelay $0x3  }
0x95: {  	_ =	strace s4  }
0x96: {  	s4 =	sld [smem:$0x3FFD];
	_ =	sdelay $0x3  }
0x97: {  	_ =	strace s4  }
0x98: {  	_ =	strace $0x8FFFFFFF  }
0x99: {  	s19 =	sld [smem:$0x3FDB];
	_ =	sdelay $0x1  }
0x9a: {  	s5 =	simm.s32 $_scs_section_size  }
0x9b: {  	s6 =	simm.s32 $_size__tile_overlayer_lowered;
	s7 =	simm.s32 $_tile_overlayer_lowered  }
0x9c: {  	s22 =	simm.s32 $0x1BFF;
	s21 =	sshll.u32 s7, $0x1;
	s4 =	sadd.s32 s5, s19  }
0x9d: {  	s8 =	simm.s32 $0x0;
	s20 =	sshll.u32 s6, $0x1;
	s6 =	sadd.s32 s21, s4  }
0x9e: {  	[timem:s8], [sflag:s22] =	dma.local [hbm:s6], s20  }
0x9f: {  	_ =	swait.ge [sflag:s22], s20  }
0xa0: {  	s5 =	ssub.s32 $0x0, s20;
	[sflag:s22] =	ssyncset.done $0x0  }
0xa1: {  	[sflag:s22] =	ssyncadd.s32 s5;
	_ =	sdelay $0x1  }
0xa2: {  	s23 =	simm.s32 $0x1B8B  }
0xa3: {  	_ =	swait.ge [sflag:s23], $0x1  }
0xa4: {  	[sflag:s23] =	ssyncset.done $0x0  }
0xa5: {  	s25 =	simm.s32 $0x1B8E;
	s24 =	sld [smem:$0x3FFE];
	[sflag:s23] =	ssyncadd.s32 $0xFFFFFFFF  }
0xa6: {  	s26 =	simm.s32 $execute0_lowered;
	[smem:$0x3FD2] =	sst s25  }
0xa7: {  	s6 =	sshll.u32 s26, $0x1;
	_ =	strace $0x80000046;
	[dreg:$0x1] =	wrdreg $0xFFFFFFFF  }
0xa8: {  	s28 =	simm.s32 $_size_execute0_lowered;
	s4 =	sadd.s32 s4, s6;
	[dreg:$0x0] =	wrdreg $0x0  }
0xa9: {  	s6 =	sshll.u32 s28, $0x1;
	[dreg:$0x2] =	wrdreg s4  }
0xaa: {  	[dreg:$0x3] =	wrdreg s6  }
0xab: {  	[dreg:$0x4] =	wrdreg $0xC0  }
0xac: {  	_ =	task [dreg:s8], $0x5FFFF  }
0xad: {  	[dreg:$0x1] =	wrdreg $0xFFFFFFFF  }
0xae: {  	[dreg:$0x0] =	wrdreg $0x60  }
0xaf: {  	[dreg:$0x2] =	wrdreg s2  }
0xb0: {  	[dreg:$0x3] =	wrdreg s24  }
0xb1: {  	[dreg:$0x4] =	wrdreg s18  }
0xb2: {  	[dreg:$0x5] =	wrdreg $0x9  }
0xb3: {  	_ =	task.clear_ibuf [dreg:s8], $0x6FFFF;
	_ =	strace $0x90000046  }
0xb4: {  	s29 =	simm.s32 $0x9;
	_ =	strace $0x80000048  }
0xb5: {  	_ =	swait.ge [sflag:s29], $0x1  }
0xb6: {  	[sflag:s29] =	ssyncadd.s32 $0xFFFFFFFF  }
0xb7: {  	_ =	strace $0x90000048  }
0xb8: {  	_ =	sfence  }
0xb9: {  	s30 =	sld [smem:$0x0];
	_ =	sdelay $0x2  }
0xba: {  	s31 =	sshll.u32 s1, $0xD;
	s1 =	sshrl.u32 s1, $0x2  }
0xbb: {  	s3 =	sand.u32 $0x4000, s31;
	s1 =	sadd.s32 s1, s30  }
0xbc: {  	s0 =	sor.u32 s3, s0;
	s1 =	sshll.u32 s1, $0x11  }
0xbd: {  	s0 =	sor.u32 s1, s0  }
0xbe: {  	s0 =	sadd.s32 $0x8F2B, s0  }
0xbf: {  	[sflag:s0] =	ssyncadd.remote.s32 $0x1  }
0xc0: {  	_ =	sfence.sel $0xFFFF  }
0xc1: {  	[dreg:$0x0] =	wrdreg $0xFFFFFFFF;
	(pc) =	sbr.abs _section_cstart, $3  }
0xc2: {  	[dreg:$0x1] =	wrdreg $0xFFFFFFFF  }
0xc3: {  	_ =	task.clear_ibuf [dreg:s8], $0x2FFFF;
	_ =	strace $0x9FFFFFFF  }
0xc4: {  	(tm) =	ssettm $0x7FFFFFFF  }
0xc5: {  	_ =	shalt  }
tec
execute0_lowered:
.L_overlay_start_1:
0x0: {  	(tag) =	ssettag $0x1  }
0x1: {  	v0 =	vimm.s32 $0x32107654  }
0x2: {  	v1 =	vlaneseq.u32;
	v3 =	vimm.s32 $0x13121110;
	vm0 =	vcmask $0xF00  }
0x3: {  	vm1 =	vcmask $0x2F10;
	v4 =	vimm.s32 $0x1;
	vm14 =	vcmask $0x3F30  }
0x4: {  	v6 =	vimm.s32 $0xFEDCBA98;
	vm2 =	vcmask $0x1F10;
	vm15 =	vcmask $0x2F00  }
0x5: {  	v11 =	vimm.s32 $0x5;
	v16 =	vimm.s32 $0x9;
	v2 =	vunpack.c.l.s4.s8 v0  }
0x6: {  	v20 =	vimm.s32 $0xD;
	v22 =	vimm.s32 $0x8;
	v7 =	vunpack.c.0.s8.s32 v3  }
0x7: {  	v3 =	vimm.s32 $0xB0A0908;
	v0 =	vsel vm0, $0x0, v4;
	v2 =	vunpack.c.0.s8.s32 v2  }
0x8: {  	v4 =	vimm.s32 $0x76543210;
	v23 =	vshrl.u32 v1, $0x3;
	v6 =	vunpack.c.l.s4.s8 v6  }
0x9: {  	s4 =	rddreg [dreg:$0x0];
	v11 =	vsel vm0, $0x4, v11;
	v3 =	vunpack.c.0.s8.s32 v3;
	v2 =	vand.u32 $0xF, v2  }
0xa: {  	s3 =	rddreg [dreg:$0x1];
	v16 =	vsel vm0, $0x8, v16;
	v20 =	vsel vm0, $0xC, v20;
	v5 =	vsel vm1, v2, v7  }
0xb: {  	s5 =	rddreg [dreg:$0x2];
	v4 =	vunpack.c.l.s4.s8 v4;
	v3 =	vsel vm14, v3, v5;
	v5 =	vimm.s32 $0xF0E0D0C  }
0xc: {  	s0 =	rddreg [dreg:$0x3];
	[tilespmem:$0x1FFF0] =	vst v0;
	v0 =	vimm.s32 $0x3;
	v12 =	vadd.s32 $0x5, v23;
	v5 =	vunpack.c.0.s8.s32 v5  }
0xd: {  	s2 =	simm.s32 $0x0;
	s6 =	srdreg.scid;
	s1 =	stileid.u32;
	v17 =	vadd.s32 $0x9, v23;
	v8 =	vunpack.c.0.s8.s32 v4;
	v4 =	vimm.s32 $0x3020100  }
0xe: {  	s10 =	simm.s32 $0x0;
	[smem:$0x7FF] =	sst s2;
	s6 =	sand.u32 $0x1, s6;
	v10 =	vunpack.c.0.s8.s32 v6;
	v9 =	vunpack.c.0.s8.s32 v4;
	v5 =	vsel vm2, v7, v5  }
0xf: {  	s7 =	sshll.u32 s1, $0x1;
	s3 =	sadd.s32 $0x400, s3;
	s8 =	ssub.s32 $0x2, s6;
	v4 =	vadd.s32 $0x1, v23;
	v23 =	vadd.s32 $0xD, v23;
	v5 =	vcombine.low v5, v8  }
0x10: {  	s6 =	sor.u32 s6, s7;
	_ =	strace $0x80000047;
	s31 =	sshrl.u32 s8, $0x1;
	v8 =	vsel vm2, v9, v7;
	v7 =	vsel vm15, $0x2, v0;
	v0 =	vimm.s32 $0x7  }
0x11: {  	s9 =	sshll.u32 s6, $0x6;
	s6 =	smul.u32 $0x500, s6;
	s7 =	ssub.s32 s8, s31;
	v2 =	vimm.s32 $0xC;
	v14 =	vsel vm15, $0x6, v0;
	v0 =	vimm.s32 $0xB  }
0x12: {  	s4 =	sadd.s32 s4, s9;
	s8 =	simm.s32 $0x200;
	s9 =	simm.s32 $0x300;
	v9 =	vand.u32 $0xF, v10;
	v19 =	vsel vm15, $0xA, v0;
	v0 =	vimm.s32 $0xF  }
0x13: {  	s5 =	sadd.s32 s5, s6;
	s6 =	smax.u32 s7, $0x1;
	s7 =	simm.s32 $0x1;
	v8 =	vcombine.low v9, v8;
	v9 =	vadd.s32 $0x4, v1;
	v24 =	vsel vm15, $0xE, v0  }
.LBB2_1:
0x14: {  	[tilespmem:s2], [sflag:$0x1] =	stream.linear.gather [hbm4b:s4+s2], $0x200, $0x38;
	[tilespmem:$0x2B00] =	vst v63  }
0x15: {  	_ =	swait.ge [sflag:s7], $0x200  }
0x16: {  	[sflag:s7] =	ssyncset.done $0x0  }
0x17: {  	[sflag:s7] =	ssyncadd.s32 $0xFFFFFE00  }
0x18: {  	[tilespmem:s8], [sflag:$0x1] =	stream.linear.gather [hbm4b:s3+s2], $0x100, $0x38;
	[tilespmem:$0x2B00] =	vst v63  }
0x19: {  	_ =	swait.ge [sflag:s7], $0x100  }
0x1a: {  	[sflag:s7] =	ssyncset.done $0x0  }
0x1b: {  	[sflag:s7] =	ssyncadd.s32 $0xFFFFFF00  }
0x1c: {  	v25 =	vld [tilespmem:s2+$0x0];
	_ =	sdelay $0x4  }
0x1d: {  	v26 =	vcvt.s32.f32 v25;
	_ =	sdelay $0x1  }
0x1e: {  	v26 =	vshra.s32 v26, $0x17  }
0x1f: {  	vm0 =	vlt.s32 v25, $0x4;
	v26 =	vadd.s32 $0xFFFFFF83, v26  }
0x20: {  	v25 =	vsel vm0, v25, v26  }
0x21: {  	v25 =	vmul.u32 $0x14, v25;
	_ =	sdelay $0x1  }
0x22: {  	v31 =	vperm.xlane v25, v7  }
0x23: {  	v15 =	vld [tilespmem:$0x1FFF0];
	v26 =	vperm.xlane v25, v24  }
0x24: {  	v0 =	vimm.s32 $0x0;
	v27 =	vperm.xlane v25, v23;
	v31 =	vadd.s32 v8, v31  }
0x25: {  	v18 =	vimm.s32 $0x3;
	v28 =	vperm.xlane v25, v0;
	v26 =	vadd.s32 v8, v26  }
0x26: {  	v21 =	vimm.s32 $0x8;
	v30 =	vperm.xlane v25, v18;
	v29 =	vadd.s32 v5, v27  }
0x27: {  	s11 =	simm.s32 $0x10;
	v10 =	vimm.s32 $0x4;
	v54 =	vperm.xlane v25, v21;
	v28 =	vadd.s32 v1, v28  }
0x28: {  	v34 =	vld [tilespmem:s11+$0x0];
	v33 =	vperm.xlane v25, v10;
	v27 =	vperm.xlane v25, v15;
	v30 =	vadd.s32 v9, v30  }
0x29: {  	v36 =	vperm.xlane v25, v14;
	v41 =	vld.idx.msk [tilespmem:v31+s8+$0x0], $0xffff;
	v31 =	vadd.s32 v1, v54  }
0x2a: {  	v33 =	vadd.s32 v1, v33;
	v32 =	vadd.s32 v3, v27;
	v27 =	vld.idx.msk [tilespmem:v26+s8+$0x0], $0xffff  }
0x2b: {  	v35 =	vperm.xlane v25, v11;
	v55 =	vadd.s32 v8, v36;
	v26 =	vld.idx.msk [tilespmem:v29+s8+$0x0], $0xffff  }
0x2c: {  	v57 =	vimm.s32 $0x7;
	v29 =	vperm.xlane v25, v12;
	v43 =	vld.idx.msk [tilespmem:v28+s8+$0x0], $0xffff  }
0x2d: {  	v6 =	vimm.s32 $0xF;
	v59 =	vperm.xlane v25, v57;
	v28 =	vadd.s32 v3, v35;
	v63 =	vld.idx.msk [tilespmem:v30+s8+$0x0], $0xffff  }
0x2e: {  	v30 =	vperm.xlane v25, v6;
	v29 =	vadd.s32 v5, v29;
	v6 =	vld.idx.msk [tilespmem:v31+s8+$0x0], $0xffff  }
0x2f: {  	v38 =	vperm.xlane v25, v19;
	v49 =	vadd.s32 v9, v59;
	v47 =	vld.idx.msk [tilespmem:v33+s8+$0x0], $0xffff  }
0x30: {  	v50 =	vcvt.s32.f32 v34;
	v42 =	vperm.xlane v25, v4;
	v52 =	vld.idx.msk [tilespmem:v55+s8+$0x0], $0xffff;
	v30 =	vadd.s32 v9, v30  }
0x31: {  	vm15 =	vlt.s32 v34, $0x4;
	v39 =	vperm.xlane v25, v20;
	v38 =	vadd.s32 v8, v38;
	v48 =	vld.idx.msk [tilespmem:v32+s8+$0x0], $0xffff  }
0x32: {  	v40 =	vperm.xlane v25, v17;
	v58 =	vperm.xlane v25, v2;
	v35 =	vadd.s32 v5, v42;
	v28 =	vld.idx.msk [tilespmem:v28+s8+$0x0], $0xffff  }
0x33: {  	v42 =	vperm.xlane v25, v16;
	v54 =	vshra.s32 v50, $0x17;
	v55 =	vadd.s32 v3, v39;
	v29 =	vld.idx.msk [tilespmem:v29+s8+$0x0], $0xffff;
	[tilespmem:$0x1FFE0] =	vst v6  }
0x34: {  	v56 =	vadd.s32 v5, v40;
	v31 =	vadd.s32 $0xFFFFFF83, v54;
	v6 =	vimm.s32 $0xB;
	v32 =	vld.idx.msk [tilespmem:v49+s8+$0x0], $0xffff  }
0x35: {  	v42 =	vadd.s32 v3, v42;
	v31 =	vsel vm15, v34, v31;
	v25 =	vperm.xlane v25, v6;
	v33 =	vld.idx.msk [tilespmem:v30+s8+$0x0], $0xffff  }
0x36: {  	v44 =	vadd.s32 v1, v58;
	v34 =	vmul.u32 $0x14, v31;
	v31 =	vld.idx.msk [tilespmem:v38+s8+$0x0], $0xffff  }
0x37: {  	v37 =	vld.idx.msk [tilespmem:v35+s8+$0x0], $0xffff;
	v25 =	vadd.s32 v9, v25  }
0x38: {  	v30 =	vld.idx.msk [tilespmem:v55+s8+$0x0], $0xffff  }
0x39: {  	v46 =	vperm.xlane v34, v4;
	v40 =	vld.idx.msk [tilespmem:v56+s8+$0x0], $0xffff  }
0x3a: {  	v61 =	vperm.xlane v34, v15;
	v39 =	vld.idx.msk [tilespmem:v42+s8+$0x0], $0xffff  }
0x3b: {  	s14 =	simm.s32 $0x3A0;
	v59 =	vperm.xlane v34, v24;
	v38 =	vadd.s32 v5, v46;
	v46 =	vld.idx.msk [tilespmem:v44+s8+$0x0], $0xffff  }
0x3c: {  	v45 =	vperm.xlane v34, v23;
	v54 =	vadd.s32 v3, v61;
	v42 =	vld.idx.msk [tilespmem:v25+s8+$0x0], $0xffff;
	[tilespmem:s14+$0xFFFFFFC0] =	vst v28  }
0x3d: {  	v60 =	vperm.xlane v34, v0;
	v49 =	vadd.s32 v8, v59;
	[tilespmem:s14+$0xFFFFFF90] =	vst v41  }
0x3e: {  	v50 =	vadd.s32 v5, v45;
	[tilespmem:s14+$0xFFFFFFD0] =	vst v29  }
0x3f: {  	s16 =	simm.s32 $0x20;
	v51 =	vperm.xlane v34, v18;
	v36 =	vadd.s32 v1, v60;
	[tilespmem:s14+$0xFFFFFFA0] =	vst v63  }
0x40: {  	v62 =	vperm.xlane v34, v7;
	v45 =	vld [tilespmem:s16+$0x0];
	[tilespmem:s14+$0xFFFFFF80] =	vst v37  }
0x41: {  	v53 =	vperm.xlane v34, v10;
	v51 =	vadd.s32 v9, v51;
	v44 =	vld.idx.msk [tilespmem:v54+s8+$0x0], $0xffff;
	[tilespmem:s14+$0xFFFFFFB0] =	vst v47  }
0x42: {  	v55 =	vperm.xlane v34, v11;
	v58 =	vadd.s32 v8, v62;
	v25 =	vld.idx.msk [tilespmem:v49+s8+$0x0], $0xffff;
	[tilespmem:s14+$0xFFFFFF70] =	vst v48  }
0x43: {  	v13 =	vimm.s32 $0x0;
	s19 =	sand.u32 $0x3FC0, s2;
	v56 =	vperm.xlane v34, v14;
	v53 =	vadd.s32 v1, v53;
	v28 =	vld.idx.msk [tilespmem:v50+s8+$0x0], $0xffff;
	[tilespmem:s14+$0xFFFFFF60] =	vst v43  }
0x44: {  	v15 =	vimm.s32 $0x3;
	v0 =	vimm.s32 $0xF;
	v62 =	vadd.s32 v3, v55;
	v29 =	vld.idx.msk [tilespmem:v36+s8+$0x0], $0xffff;
	[tilespmem:s19+$0x380] =	vst v52  }
0x45: {  	v59 =	vperm.xlane v34, v12;
	v35 =	vadd.s32 v8, v56;
	v63 =	vperm.xlane v34, v0;
	v0 =	vld [tilespmem:$0x1FFE0]  }
0x46: {  	v18 =	vimm.s32 $0x4;
	v60 =	vperm.xlane v34, v21;
	v21 =	vimm.s32 $0x7;
	v37 =	vld.idx.msk [tilespmem:v51+s8+$0x0], $0xffff  }
0x47: {  	v61 =	vperm.xlane v34, v57;
	v57 =	vperm.xlane v34, v19;
	v55 =	vadd.s32 v5, v59;
	v41 =	vld.idx.msk [tilespmem:v58+s8+$0x0], $0xffff  }
0x48: {  	v54 =	vadd.s32 v1, v60;
	v50 =	vperm.xlane v34, v20;
	v49 =	vperm.xlane v34, v17;
	v36 =	vld.idx.msk [tilespmem:v53+s8+$0x0], $0xffff  }
0x49: {  	s15 =	simm.s32 $0x140;
	s17 =	simm.s32 $0x3C0;
	v47 =	vperm.xlane v34, v16;
	v48 =	vperm.xlane v34, v6;
	v51 =	vadd.s32 v9, v61;
	v43 =	vld.idx.msk [tilespmem:v62+s8+$0x0], $0xffff  }
0x4a: {  	s12 =	simm.s32 $0x4E0;
	s13 =	simm.s32 $0x4E0;
	s11 =	simm.s32 $0x280;
	v56 =	vcvt.s32.f32 v45;
	v35 =	vld.idx.msk [tilespmem:v35+s8+$0x0], $0xffff;
	v53 =	vadd.s32 v8, v57;
	v52 =	vadd.s32 v9, v63;
	[tilespmem:s14+$0x0] =	vst v0  }
.LBB2_2:
0x4b: {  	_ =	sdelay $0x1  }
0x4c: {  	v55 =	vld.idx.msk [tilespmem:v55+s8+$0x0], $0xffff;
	[tilespmem:s14+$0x50] =	vst v46  }
0x4d: {  	v58 =	vld.idx.msk [tilespmem:v54+s8+$0x0], $0xffff;
	[tilespmem:s14+$0xFFFFFFF0] =	vst v32  }
0x4e: {  	v63 =	vadd.s32 v3, v50;
	v32 =	vld.idx.msk [tilespmem:v51+s8+$0x0], $0xffff;
	[tilespmem:s14+$0x20] =	vst v40  }
0x4f: {  	v62 =	vshra.s32 v56, $0x17;
	v49 =	vadd.s32 v5, v49;
	v50 =	vld.idx.msk [tilespmem:v52+s8+$0x0], $0xffff;
	[tilespmem:s14+$0x30] =	vst v31  }
0x50: {  	v57 =	vmov v44;
	vm0 =	vlt.s32 v45, $0x4;
	v44 =	vadd.s32 $0xFFFFFF83, v62;
	v31 =	vld.idx.msk [tilespmem:v53+s8+$0x0], $0xffff;
	[tilespmem:s14+$0x40] =	vst v42  }
0x51: {  	v56 =	vperm.xlane v34, v2;
	v54 =	vsel vm0, v45, v44;
	v51 =	vld.idx.msk [tilespmem:v38+s8+$0x0], $0xffff;
	[tilespmem:s14+$0x10] =	vst v39  }
0x52: {  	v0 =	vld [tilespmem:$0x1FFF0];
	v59 =	vadd.s32 v3, v47;
	v34 =	vmul.u32 $0x14, v54;
	[tilespmem:s19+$0x400] =	vst v30  }
0x53: {  	v44 =	vadd.s32 v1, v56;
	v30 =	vld.idx.msk [tilespmem:v63+s8+$0x0], $0xffff  }
0x54: {  	v45 =	vadd.s32 v9, v48;
	v63 =	vperm.xlane v34, v24;
	v40 =	vld.idx.msk [tilespmem:v49+s8+$0x0], $0xffff;
	[tilespmem:s14+$0x70] =	vst v26  }
0x55: {  	v61 =	vperm.xlane v34, v23;
	[tilespmem:s14+$0x90] =	vst v33  }
0x56: {  	v60 =	vperm.xlane v34, v13;
	v62 =	vperm.xlane v34, v4;
	[tilespmem:s14+$0x80] =	vst v27;
	v47 =	vadd.s32 v8, v63  }
0x57: {  	v6 =	vperm.xlane v34, v7;
	v49 =	vperm.xlane v34, v0;
	v52 =	vadd.s32 v5, v61;
	v39 =	vld.idx.msk [tilespmem:v59+s8+$0x0], $0xffff  }
0x58: {  	v26 =	vmov v28;
	v28 =	vperm.xlane v34, v15;
	v48 =	vadd.s32 v1, v60;
	v46 =	vld.idx.msk [tilespmem:v44+s8+$0x0], $0xffff  }
0x59: {  	s16 =	sadd.s32 $0x10, s16;
	v56 =	vperm.xlane v34, v11;
	s14 =	smov.u32 s13;
	v38 =	vadd.s32 v5, v62;
	v42 =	vld.idx.msk [tilespmem:v45+s8+$0x0], $0xffff;
	v54 =	vadd.s32 v3, v49  }
0x5a: {  	v59 =	vperm.xlane v34, v14;
	v45 =	vld [tilespmem:s16+$0x0];
	[tilespmem:s14+$0xFFFFFFC0] =	vst v43;
	v53 =	vadd.s32 v9, v28;
	v28 =	vperm.xlane v34, v18  }
0x5b: {  	v27 =	vmov v25;
	v60 =	vadd.s32 v8, v6;
	v61 =	vperm.xlane v34, v12;
	v25 =	vld.idx.msk [tilespmem:v47+s8+$0x0], $0xffff;
	[tilespmem:s14+$0xFFFFFF90] =	vst v41  }
0x5c: {  	v0 =	vimm.s32 $0xF;
	v62 =	vperm.xlane v34, v22;
	v43 =	vadd.s32 v1, v28;
	v28 =	vld.idx.msk [tilespmem:v52+s8+$0x0], $0xffff;
	[tilespmem:s14+$0xFFFFFFD0] =	vst v55  }
0x5d: {  	v0 =	vperm.xlane v34, v0;
	v52 =	vadd.s32 v3, v56;
	v10 =	vld.idx.msk [tilespmem:v48+s8+$0x0], $0xffff;
	[tilespmem:s14+$0xFFFFFFA0] =	vst v37  }
0x5e: {  	p0 =	sne.s32 s17, $0x26C0;
	v6 =	vperm.xlane v34, v19;
	v59 =	vadd.s32 v8, v59;
	v44 =	vld.idx.msk [tilespmem:v54+s8+$0x0], $0xffff;
	[tilespmem:s14+$0xFFFFFF80] =	vst v51  }
.Ltmp0:
0x5f: {  	v33 =	vmov v50;
	v50 =	vperm.xlane v34, v20;
	v63 =	vperm.xlane v34, v21;
	v37 =	vld.idx.msk [tilespmem:v53+s8+$0x0], $0xffff;
	[tilespmem:s14+$0xFFFFFFB0] =	vst v36;
	(pc) =	sbr.rel @p0 .LBB2_2-.Ltmp0, $4  }
0x60: {  	v49 =	vperm.xlane v34, v17;
	v47 =	vperm.xlane v34, v16;
	v56 =	vimm.s32 $0xB;
	v41 =	vld.idx.msk [tilespmem:v60+s8+$0x0], $0xffff;
	[tilespmem:s14+$0xFFFFFF70] =	vst v57  }
0x61: {  	s19 =	sand.u32 $0x3FC0, s15;
	v55 =	vadd.s32 v5, v61;
	v48 =	vperm.xlane v34, v56;
	v36 =	vld.idx.msk [tilespmem:v43+s8+$0x0], $0xffff;
	[tilespmem:s14+$0xFFFFFF60] =	vst v29  }
0x62: {  	s12 =	sadd.s32 $0x140, s12;
	s18 =	smov.u32 s17;
	s17 =	sadd.s32 $0x140, s17;
	v56 =	vcvt.s32.f32 v45;
	v54 =	vadd.s32 v1, v62;
	v51 =	vadd.s32 v9, v63;
	v43 =	vld.idx.msk [tilespmem:v52+s8+$0x0], $0xffff;
	[tilespmem:s19+$0x380] =	vst v35  }
0x63: {  	s15 =	smov.u32 s11;
	s11 =	smov.u32 s18;
	s13 =	smov.u32 s12;
	v53 =	vadd.s32 v8, v6;
	v52 =	vadd.s32 v9, v0;
	v29 =	vmov v10;
	v35 =	vld.idx.msk [tilespmem:v59+s8+$0x0], $0xffff;
	[tilespmem:s14+$0x0] =	vst v58  }
0x64: {  	_ =	sdelay $0x3  }
0x65: {  	v6 =	vld.idx.msk [tilespmem:v55+s8+$0x0], $0xffff  }
0x66: {  	v0 =	vshra.s32 v56, $0x17;
	[tilespmem:s14+$0x50] =	vst v46;
	v10 =	vld.idx.msk [tilespmem:v54+s8+$0x0], $0xffff;
	v62 =	vadd.s32 v3, v50  }
0x67: {  	vm0 =	vlt.s32 v45, $0x4;
	[tilespmem:s14+$0xFFFFFFF0] =	vst v32;
	v32 =	vld.idx.msk [tilespmem:v51+s8+$0x0], $0xffff;
	v63 =	vadd.s32 v5, v49;
	v0 =	vadd.s32 $0xFFFFFF83, v0  }
0x68: {  	v51 =	vimm.s32 $0xC;
	[tilespmem:s14+$0x20] =	vst v40;
	v40 =	vld.idx.msk [tilespmem:v52+s8+$0x0], $0xffff;
	v0 =	vsel vm0, v45, v0  }
0x69: {  	v47 =	vadd.s32 v3, v47;
	[tilespmem:s14+$0x30] =	vst v31;
	v31 =	vld.idx.msk [tilespmem:v53+s8+$0x0], $0xffff;
	v34 =	vperm.xlane v34, v51;
	v0 =	vmul.u32 $0x14, v0  }
0x6a: {  	v48 =	vadd.s32 v9, v48;
	[tilespmem:s14+$0x40] =	vst v42;
	v38 =	vld.idx.msk [tilespmem:v38+s8+$0x0], $0xffff  }
0x6b: {  	[tilespmem:s14+$0x10] =	vst v39;
	v34 =	vadd.s32 v1, v34;
	v53 =	vperm.xlane v0, v24;
	v46 =	vld.idx.msk [tilespmem:v62+s8+$0x0], $0xffff  }
0x6c: {  	[tilespmem:s19+$0x400] =	vst v30;
	v54 =	vperm.xlane v0, v23;
	v30 =	vld.idx.msk [tilespmem:v63+s8+$0x0], $0xffff  }
0x6d: {  	v55 =	vperm.xlane v0, v13;
	v13 =	vld [tilespmem:$0x1FFF0];
	[tilespmem:s14+$0x70] =	vst v26;
	v49 =	vadd.s32 v8, v53  }
0x6e: {  	v57 =	vperm.xlane v0, v15;
	v47 =	vld.idx.msk [tilespmem:v47+s8+$0x0], $0xffff;
	[tilespmem:s14+$0x90] =	vst v33;
	v42 =	vadd.s32 v5, v54  }
0x6f: {  	v58 =	vperm.xlane v0, v7;
	[tilespmem:s14+$0x80] =	vst v27;
	v48 =	vld.idx.msk [tilespmem:v48+s8+$0x0], $0xffff;
	v26 =	vadd.s32 v1, v55  }
0x70: {  	v59 =	vperm.xlane v0, v18;
	v27 =	vadd.s32 v9, v57;
	v34 =	vld.idx.msk [tilespmem:v34+s8+$0x0], $0xffff;
	[tilespmem:s13+$0xFFFFFFC0] =	vst v43  }
0x71: {  	v60 =	vperm.xlane v0, v11;
	v61 =	vperm.xlane v0, v14;
	v33 =	vadd.s32 v8, v58;
	[tilespmem:s13+$0xFFFFFF90] =	vst v41  }
0x72: {  	v62 =	vperm.xlane v0, v12;
	v39 =	vadd.s32 v1, v59;
	[tilespmem:s13+$0xFFFFFFD0] =	vst v6;
	v43 =	vld.idx.msk [tilespmem:v49+s8+$0x0], $0xffff  }
0x73: {  	v52 =	vadd.s32 v8, v61;
	v53 =	vperm.xlane v0, v21;
	[tilespmem:s13+$0xFFFFFFA0] =	vst v37;
	v41 =	vld.idx.msk [tilespmem:v42+s8+$0x0], $0xffff  }
0x74: {  	v54 =	vadd.s32 v5, v62;
	v57 =	vperm.xlane v0, v19;
	[tilespmem:s13+$0xFFFFFF80] =	vst v38;
	v6 =	vld.idx.msk [tilespmem:v26+s8+$0x0], $0xffff  }
0x75: {  	[tilespmem:s13+$0xFFFFFFB0] =	vst v36;
	v58 =	vadd.s32 v9, v53;
	v56 =	vperm.xlane v0, v13;
	v27 =	vld.idx.msk [tilespmem:v27+s8+$0x0], $0xffff  }
0x76: {  	v2 =	vimm.s32 $0xF;
	v63 =	vperm.xlane v0, v22;
	[tilespmem:s13+$0xFFFFFF70] =	vst v44;
	v62 =	vadd.s32 v8, v57;
	v33 =	vld.idx.msk [tilespmem:v33+s8+$0x0], $0xffff  }
0x77: {  	s31 =	sand.u32 $0x3FC0, s15;
	v55 =	vperm.xlane v0, v2;
	[tilespmem:s13+$0xFFFFFF60] =	vst v29;
	v45 =	vadd.s32 v3, v56;
	v39 =	vld.idx.msk [tilespmem:v39+s8+$0x0], $0xffff  }
0x78: {  	v59 =	vperm.xlane v0, v4;
	[tilespmem:s31+$0x380] =	vst v35;
	v26 =	vadd.s32 v3, v60;
	v35 =	vld.idx.msk [tilespmem:v52+s8+$0x0], $0xffff  }
0x79: {  	v61 =	vperm.xlane v0, v20;
	[tilespmem:s13+$0x0] =	vst v10;
	v56 =	vadd.s32 v1, v63;
	v10 =	vld.idx.msk [tilespmem:v54+s8+$0x0], $0xffff  }
0x7a: {  	v57 =	vperm.xlane v0, v51;
	[tilespmem:s13+$0xFFFFFFF0] =	vst v32;
	v60 =	vadd.s32 v9, v55;
	v55 =	vld.idx.msk [tilespmem:v58+s8+$0x0], $0xffff  }
0x7b: {  	v13 =	vimm.s32 $0xB;
	[tilespmem:s13+$0x20] =	vst v30;
	v49 =	vadd.s32 v5, v59;
	v52 =	vperm.xlane v0, v16;
	v59 =	vld.idx.msk [tilespmem:v62+s8+$0x0], $0xffff  }
0x7c: {  	v63 =	vperm.xlane v0, v17;
	v54 =	vadd.s32 v3, v61;
	v0 =	vperm.xlane v0, v13;
	v37 =	vld.idx.msk [tilespmem:v45+s8+$0x0], $0xffff  }
0x7d: {  	[tilespmem:s13+$0x30] =	vst v31;
	v58 =	vadd.s32 v3, v52;
	v26 =	vld.idx.msk [tilespmem:v26+s8+$0x0], $0xffff  }
0x7e: {  	[tilespmem:s13+$0x40] =	vst v48;
	v0 =	vadd.s32 v9, v0;
	v53 =	vld.idx.msk [tilespmem:v56+s8+$0x0], $0xffff  }
0x7f: {  	[tilespmem:s13+$0x10] =	vst v47;
	v56 =	vadd.s32 v5, v63;
	v29 =	vld.idx.msk [tilespmem:v60+s8+$0x0], $0xffff  }
0x80: {  	[tilespmem:s13+$0x50] =	vst v34;
	v60 =	vadd.s32 v1, v57;
	v61 =	vld.idx.msk [tilespmem:v49+s8+$0x0], $0xffff  }
0x81: {  	[tilespmem:s31+$0x400] =	vst v46;
	v36 =	vld.idx.msk [tilespmem:v54+s8+$0x0], $0xffff  }
0x82: {  	[tilespmem:s13+$0x70] =	vst v28;
	v62 =	vld.idx.msk [tilespmem:v58+s8+$0x0], $0xffff  }
0x83: {  	[tilespmem:s13+$0x90] =	vst v40;
	v0 =	vld.idx.msk [tilespmem:v0+s8+$0x0], $0xffff  }
0x84: {  	s12 =	sadd.s32 $0x140, s12;
	[tilespmem:s13+$0x80] =	vst v25;
	v42 =	vld.idx.msk [tilespmem:v56+s8+$0x0], $0xffff  }
0x85: {  	v63 =	vld.idx.msk [tilespmem:v60+s8+$0x0], $0xffff;
	[tilespmem:s12+$0xFFFFFFC0] =	vst v26  }
0x86: {  	[tilespmem:s12+$0xFFFFFF90] =	vst v33  }
0x87: {  	[tilespmem:s12+$0xFFFFFFD0] =	vst v10  }
0x88: {  	[tilespmem:s12+$0xFFFFFFA0] =	vst v27  }
0x89: {  	[tilespmem:s12+$0xFFFFFF80] =	vst v61  }
0x8a: {  	[tilespmem:s12+$0xFFFFFFB0] =	vst v39  }
0x8b: {  	[tilespmem:s12+$0xFFFFFF70] =	vst v37  }
0x8c: {  	s11 =	sand.u32 $0x3FC0, s11;
	[tilespmem:s12+$0xFFFFFF60] =	vst v6  }
0x8d: {  	[tilespmem:s11+$0x380] =	vst v35  }
0x8e: {  	[tilespmem:s12+$0x0] =	vst v53  }
0x8f: {  	[tilespmem:s12+$0xFFFFFFF0] =	vst v55  }
0x90: {  	[tilespmem:s12+$0x30] =	vst v59  }
0x91: {  	[tilespmem:s12+$0x40] =	vst v0  }
0x92: {  	[tilespmem:s12+$0x10] =	vst v62  }
0x93: {  	[tilespmem:s12+$0x50] =	vst v63  }
0x94: {  	[tilespmem:s12+$0x20] =	vst v42  }
0x95: {  	[tilespmem:s11+$0x400] =	vst v36  }
0x96: {  	s10 =	sadd.s32 $0x1, s10;
	[tilespmem:s12+$0x70] =	vst v41  }
0x97: {  	p0 =	sne.s32 s10, s6;
	[tilespmem:s12+$0x90] =	vst v29  }
.Ltmp1:
0x98: {  	[tilespmem:s12+$0x80] =	vst v43;
	(pc) =	sbr.rel @p0 .LBB2_1-.Ltmp1, $4  }
0x99: {  	[hbm4b:s5+s2] =	stream.linear.scatter [tilespmem:s9], [sflag:$0x1], $0x2800, $0x38;
	[tilespmem:$0x2B00] =	vst v63  }
0x9a: {  	_ =	swait.ge [sflag:s7], $0x2800  }
0x9b: {  	[sflag:s7] =	ssyncset.done $0x0  }
0x9c: {  	v2 =	vimm.s32 $0xC;
	[sflag:s7] =	ssyncadd.s32 $0xFFFFD800  }
0x9d: {  	_ =	sfence.sel $0x180000  }
0x9e: {  	[bflag:$0x0] =	sbarrier.arrive $0xFFFF  }
0x9f: {  	p0 =	sne.s32 s1, $0x0;
	_ =	strace $0x90000047  }
0xa0: {  	s0 =	sadd.s32 @!p0 $0x100000, s0;
	[bflag:$0x2] =	sbarrier.arrive $0xFFFF  }
0xa1: {  	[sflag:s0] =	ssyncadd.tile.s32 @!p0 $0x1;
	_ =	shalt  }
.Lfunc_end2:
_tile_overlayer_lowered:
.L_overlay_start_2:
0xa2: {  	(tag) =	ssettag $0x2  }
0xa3: {  	s0 =	rddreg [dreg:$0x0];
	s2 =	stileid.u32  }
0xa4: {  	s1 =	rddreg [dreg:$0x1];
	p0 =	sne.s32 s2, $0x0  }
0xa5: {  	s3 =	rddreg [dreg:$0x2];
	[bflag:$0x3] =	sbarrier.arrive $0xFFFF;
	s2 =	simm.s32 @!p0 $0x1C01  }
0xa6: {  	[timem:s3], [sflag:s2] =	dma.local @!p0 [hbm:s0], s1  }
0xa7: {  	s0 =	simm.s32 @!p0 $0x1  }
0xa8: {  	_ =	swait.ge @!p0 [sflag:s0], s1  }
0xa9: {  	s1 =	ssub.s32 @!p0 $0x0, s1;
	[sflag:s0] =	ssyncset.done @!p0 $0x0  }
0xaa: {  	[sflag:s0] =	ssyncadd.s32 @!p0 s1  }
0xab: {  	[bflag:$0x3] =	sbarrier.arrive $0xFFFF  }
0xac: {  	_ =	shalt  }

</sc_bundles>
